<compile_context>
chip_gen: v7x
topology: tpu7x:2x2x1
jax: 0.10.2.dev20260603
libtpu: 0.0.44.dev20260713+nightly
codegen_flags: <defaults>
</compile_context>

<pallas_src>
import functools

import jax
import jax.numpy as jnp
from jax import lax
from jax.experimental import pallas as pl
from jax.experimental.pallas import tpu as pltpu
from jax.experimental.pallas import tpu_sc as plsc

_V = 1000
_C = 1000
_CP = 1024
_N = 1024 * 50
_NC, _NS = 2, 16
_NW = _NC * _NS
_PW = _N // _NW
_R = 32
_NCH = _PW // _R
_EG = 80
_NEG = _PW // _EG


def _lse_body(tab_ref, out_ref):
    x = tab_ref[...]
    m = jnp.max(x, axis=1, keepdims=True)
    s = jnp.sum(jnp.exp(x - m), axis=1, keepdims=True)
    out_ref[...] = m + jnp.log(s)


def _row_lse(table):
    out = pl.pallas_call(
        _lse_body,
        out_shape=jax.ShapeDtypeStruct((_V, 1), jnp.float32),
    )(table)
    return out.reshape(_V)


_sc_mesh = plsc.VectorSubcoreMesh(core_axis_name="c", subcore_axis_name="s")


@functools.partial(
    pl.kernel,
    out_type=(
        jax.ShapeDtypeStruct((_N, _CP), jnp.float32),
        jax.ShapeDtypeStruct((_NW * 16,), jnp.float32),
    ),
    mesh=_sc_mesh,
    scratch_types=[
        pltpu.VMEM((_PW,), jnp.int32),
        pltpu.VMEM((_PW,), jnp.int32),
        pltpu.VMEM((_PW,), jnp.int32),
        pltpu.VMEM((_R, _CP), jnp.float32),
        pltpu.VMEM((_R, _CP), jnp.float32),
        pltpu.VMEM((_R, _CP), jnp.float32),
        pltpu.VMEM((_PW,), jnp.float32),
        pltpu.VMEM((_PW,), jnp.float32),
        pltpu.VMEM((16,), jnp.float32),
        pltpu.SemaphoreType.DMA,
        pltpu.SemaphoreType.DMA,
        pltpu.SemaphoreType.DMA,
        pltpu.SemaphoreType.DMA,
        pltpu.SemaphoreType.DMA,
        pltpu.SemaphoreType.DMA,
        pltpu.SemaphoreType.DMA,
    ],
)
def _sc_gather_loss(table, tflat, lse, ctx, tgt,
                    logits, partials,
                    ctx_v, tgt_v, fidx_v, rows_v0, rows_v1, rows_v2,
                    picked_v, lseg_v, acc_v,
                    gsem0, gsem1, gsem2, csem0, csem1, csem2, esem):
    wid = lax.axis_index("s") * _NC + lax.axis_index("c")
    base = wid * _PW

    pltpu.sync_copy(ctx.at[pl.ds(base, _PW)], ctx_v)
    pltpu.sync_copy(tgt.at[pl.ds(base, _PW)], tgt_v)

    def _fi(j, _):
        c = ctx_v[pl.ds(j * 16, 16)]
        t = tgt_v[pl.ds(j * 16, 16)]
        fidx_v[pl.ds(j * 16, 16)] = c * _C + t
        return 0
    lax.fori_loop(0, _PW // 16, _fi, 0)

    def _eg(k, _):
        o = k * _EG
        pltpu.make_async_copy(
            tflat.at[fidx_v.at[pl.ds(o, _EG)]],
            picked_v.at[pl.ds(o, _EG)], esem).start()
        pltpu.make_async_copy(
            lse.at[ctx_v.at[pl.ds(o, _EG)]],
            lseg_v.at[pl.ds(o, _EG)], esem).start()
        return 0
    lax.fori_loop(0, _NEG, _eg, 0)

    bufs = (rows_v0, rows_v1, rows_v2)
    gsems = (gsem0, gsem1, gsem2)
    csems = (csem0, csem1, csem2)

    def _g(k, b):
        pltpu.make_async_copy(
            table.at[ctx_v.at[pl.ds(k * _R, _R)]], bufs[b], gsems[b]).start()

    def _gw(k, b):
        pltpu.make_async_copy(
            table.at[ctx_v.at[pl.ds(k * _R, _R)]], bufs[b], gsems[b]).wait()

    def _c(k, b):
        pltpu.make_async_copy(
            bufs[b], logits.at[pl.ds(base + k * _R, _R)], csems[b]).start()

    def _cw(k, b):
        pltpu.make_async_copy(
            bufs[b], logits.at[pl.ds(base + k * _R, _R)], csems[b]).wait()

    _g(0, 0)
    _g(1, 1)
    _gw(0, 0)
    _c(0, 0)
    _g(2, 2)
    _gw(1, 1)
    _c(1, 1)
    _cw(0, 0)
    _g(3, 0)
    _gw(2, 2)
    _c(2, 2)
    _cw(1, 1)
    _g(4, 1)

    def _pipe(gi, _):
        for b in range(3):
            k = 3 * gi + b
            bp = (b + 2) % 3
            _gw(k, b)
            _c(k, b)
            _cw(k - 1, bp)
            _g(k + 2, bp)
        return 0
    lax.fori_loop(1, (_NCH - 2) // 3, _pipe, 0)

    _gw(_NCH - 2, 0)
    _c(_NCH - 2, 0)
    _cw(_NCH - 3, 2)
    _gw(_NCH - 1, 1)
    _c(_NCH - 1, 1)
    _cw(_NCH - 2, 0)
    _cw(_NCH - 1, 1)

    def _ed(k, _):
        o = k * _EG
        pltpu.make_async_copy(
            tflat.at[fidx_v.at[pl.ds(o, _EG)]],
            picked_v.at[pl.ds(o, _EG)], esem).wait()
        pltpu.make_async_copy(
            lse.at[ctx_v.at[pl.ds(o, _EG)]],
            lseg_v.at[pl.ds(o, _EG)], esem).wait()
        return 0
    lax.fori_loop(0, _NEG, _ed, 0)

    def _ls(j, acc):
        return acc + (lseg_v[pl.ds(j * 16, 16)] - picked_v[pl.ds(j * 16, 16)])
    acc = lax.fori_loop(0, _PW // 16, _ls, jnp.zeros((16,), jnp.float32))
    acc_v[...] = acc * (1.0 / _N)
    pltpu.sync_copy(acc_v, partials.at[pl.ds(wid * 16, 16)])


def kernel(contexts, targets, token_embedding_table):
    table = token_embedding_table
    ctx = contexts.reshape(_N)
    tgt = targets.reshape(_N)
    lse = _row_lse(table)
    table_p = jnp.pad(table, ((0, 0), (0, _CP - _C)))
    logits_p, partials = _sc_gather_loss(
        table_p, table.reshape(_V * _C), lse, ctx, tgt)
    loss = jnp.sum(partials)
    return (logits_p[:, :_C], loss)

# --- scband reference (transcript-rebuilt; emitter-appended) ---
"""Pipeline reference for scband-bigram-language-model-3925600109357 (READ-ONLY COPY).

The authoritative reference and input builder live on the scoring server;
editing this copy changes nothing except your own understanding.
"""

import jax, jax.numpy as jnp
import numpy as np

VOCAB = 1000
B, T = 1024, 50


def setup_inputs(seed: int = 0) -> dict:
    key = jax.random.key(seed)
    k1, k2, k3 = jax.random.split(key, 3)
    contexts = jax.random.randint(k1, (B, T), 0, VOCAB, dtype=jnp.int32)
    targets = jax.random.randint(k2, (B, T), 0, VOCAB, dtype=jnp.int32)
    # nn.Embedding default init: N(0, 1)
    token_embedding_table = jax.random.normal(k3, (VOCAB, VOCAB), dtype=jnp.float32)
    return {"contexts": contexts, "targets": targets, "token_embedding_table": token_embedding_table}


def reference(contexts, targets, token_embedding_table):
    # logits = self.token_embedding_table(contexts)  -> gather rows
    logits = jnp.take(token_embedding_table, contexts, axis=0)  # [B, T, C]
    Bv, Tv, C = logits.shape
    logits2 = logits.reshape(Bv * Tv, C)
    t = targets.reshape(Bv * Tv)
    # cross_entropy with mean reduction
    logz = jax.nn.logsumexp(logits2, axis=-1)
    picked = jnp.take_along_axis(logits2, t[:, None], axis=1)[:, 0]
    loss = jnp.mean(logz - picked)
    return (logits2, loss)

if __name__ == "__main__":
    import jax
    _d = setup_inputs()
    print(jax.jit(kernel)(*tuple(_d.values())))

</pallas_src>

<mosaic_0001>
#map = affine_map<(d0, d1) -> (0, 0)>
#map1 = affine_map<(d0, d1) -> (0)>
module attributes {stable_mosaic.version = 14 : i64} {
  func.func @_sc_gather_loss(%arg0: i32, %arg1: i32, %arg2: memref<1000x1024xf32, #tpu.memory_space<hbm>>, %arg3: memref<1000000xf32, #tpu.memory_space<hbm>>, %arg4: memref<1000xf32, #tpu.memory_space<hbm>>, %arg5: memref<51200xi32, #tpu.memory_space<hbm>>, %arg6: memref<51200xi32, #tpu.memory_space<hbm>>, %arg7: memref<51200x1024xf32, #tpu.memory_space<hbm>>, %arg8: memref<512xf32, #tpu.memory_space<hbm>>, %arg9: memref<1600xi32, #tpu.memory_space<vmem>>, %arg10: memref<1600xi32, #tpu.memory_space<vmem>>, %arg11: memref<1600xi32, #tpu.memory_space<vmem>>, %arg12: memref<32x1024xf32, #tpu.memory_space<vmem>>, %arg13: memref<32x1024xf32, #tpu.memory_space<vmem>>, %arg14: memref<32x1024xf32, #tpu.memory_space<vmem>>, %arg15: memref<1600xf32, #tpu.memory_space<vmem>>, %arg16: memref<1600xf32, #tpu.memory_space<vmem>>, %arg17: memref<16xf32, #tpu.memory_space<vmem>>, %arg18: memref<!tpu.dma_semaphore, #tpu.memory_space<semaphore_mem>>, %arg19: memref<!tpu.dma_semaphore, #tpu.memory_space<semaphore_mem>>, %arg20: memref<!tpu.dma_semaphore, #tpu.memory_space<semaphore_mem>>, %arg21: memref<!tpu.dma_semaphore, #tpu.memory_space<semaphore_mem>>, %arg22: memref<!tpu.dma_semaphore, #tpu.memory_space<semaphore_mem>>, %arg23: memref<!tpu.dma_semaphore, #tpu.memory_space<semaphore_mem>>, %arg24: memref<!tpu.dma_semaphore, #tpu.memory_space<semaphore_mem>>) attributes {dimension_semantics = [#tpu.dimension_semantics<core_parallel>, #tpu.dimension_semantics<subcore_parallel>], iteration_bounds = array<i64: 2, 16>, scalar_prefetch = 0 : i64, scratch_operands = 16 : i64, tpu.core_type = #tpu.core_type<sc_vector_subcore>, window_params = [{transform_indices = #map}, {transform_indices = #map1}, {transform_indices = #map1}, {transform_indices = #map1}, {transform_indices = #map1}, {transform_indices = #map}, {transform_indices = #map1}]} {
    %mul3A = arith.constant 2 : i32
    %mul3A_0 = arith.muli %arg1, %mul3A : i32
    %add3A = arith.addi %mul3A_0, %arg0 : i32
    %mul3A_1 = arith.constant 1600 : i32
    %mul3A_2 = arith.muli %add3A, %mul3A_1 : i32
    "tpu.region"() ({
      %run_scoped3A = tpu.sem_alloc : memref<!tpu.dma_semaphore, #tpu.memory_space<semaphore_mem>>
      %dma_start3A_153 = tpu.memref_slice %arg5[%mul3A_2] : memref<51200xi32, #tpu.memory_space<hbm>> -> memref<1600xi32, #tpu.memory_space<hbm>>
      %dma_start3A_154 = tpu.memref_slice %arg5[%mul3A_2] : memref<51200xi32, #tpu.memory_space<hbm>> -> memref<1600xi32, #tpu.memory_space<hbm>>
      tpu.enqueue_dma source(%dma_start3A_154 : memref<1600xi32, #tpu.memory_space<hbm>>) target(%arg9 : memref<1600xi32, #tpu.memory_space<vmem>>) target_semaphore(%run_scoped3A : memref<!tpu.dma_semaphore, #tpu.memory_space<semaphore_mem>>)
      %dma_wait3A_155 = tpu.memref_slice %arg5[%mul3A_2] : memref<51200xi32, #tpu.memory_space<hbm>> -> memref<1600xi32, #tpu.memory_space<hbm>>
      %dma_wait3A_156 = tpu.memref_slice %arg5[%mul3A_2] : memref<51200xi32, #tpu.memory_space<hbm>> -> memref<1600xi32, #tpu.memory_space<hbm>>
      tpu.wait_dma2 semaphore(%run_scoped3A : memref<!tpu.dma_semaphore, #tpu.memory_space<semaphore_mem>>) src(%dma_wait3A_156 : memref<1600xi32, #tpu.memory_space<hbm>>) dst(%arg9 : memref<1600xi32, #tpu.memory_space<vmem>>)
      tpu.yield
    }) : () -> ()
    "tpu.region"() ({
      %run_scoped3A = tpu.sem_alloc : memref<!tpu.dma_semaphore, #tpu.memory_space<semaphore_mem>>
      %dma_start3A_153 = tpu.memref_slice %arg6[%mul3A_2] : memref<51200xi32, #tpu.memory_space<hbm>> -> memref<1600xi32, #tpu.memory_space<hbm>>
      %dma_start3A_154 = tpu.memref_slice %arg6[%mul3A_2] : memref<51200xi32, #tpu.memory_space<hbm>> -> memref<1600xi32, #tpu.memory_space<hbm>>
      tpu.enqueue_dma source(%dma_start3A_154 : memref<1600xi32, #tpu.memory_space<hbm>>) target(%arg10 : memref<1600xi32, #tpu.memory_space<vmem>>) target_semaphore(%run_scoped3A : memref<!tpu.dma_semaphore, #tpu.memory_space<semaphore_mem>>)
      %dma_wait3A_155 = tpu.memref_slice %arg6[%mul3A_2] : memref<51200xi32, #tpu.memory_space<hbm>> -> memref<1600xi32, #tpu.memory_space<hbm>>
      %dma_wait3A_156 = tpu.memref_slice %arg6[%mul3A_2] : memref<51200xi32, #tpu.memory_space<hbm>> -> memref<1600xi32, #tpu.memory_space<hbm>>
      tpu.wait_dma2 semaphore(%run_scoped3A : memref<!tpu.dma_semaphore, #tpu.memory_space<semaphore_mem>>) src(%dma_wait3A_156 : memref<1600xi32, #tpu.memory_space<hbm>>) dst(%arg10 : memref<1600xi32, #tpu.memory_space<vmem>>)
      tpu.yield
    }) : () -> ()
    %scan3A = arith.constant 0 : i32
    %scan3A_3 = arith.constant 0 : i32
    %scan3A_4 = arith.constant 100 : i32
    %scan3A_5 = arith.addi %scan3A_3, %scan3A_4 : i32
    %scan3A_6 = arith.constant 1 : i32
    %scan3A_7 = scf.for %scan3A_153 = %scan3A_3 to %scan3A_5 step %scan3A_6 iter_args(%scan3A_154 = %scan3A) -> (i32)  : i32 {
      %mul3A_155 = arith.constant 16 : i32
      %mul3A_156 = arith.muli %scan3A_153, %mul3A_155 : i32
      %get3A = arith.index_cast %mul3A_156 : i32 to index
      %get3A_157 = tpu.vector_load %arg9[%get3A] {strides = array<i32>} : memref<1600xi32, #tpu.memory_space<vmem>>, vector<16xi32>,
      %get3A_158 = vector.shape_cast %get3A_157 : vector<16xi32> to vector<16xi32>
      %mul3A_159 = arith.constant 16 : i32
      %mul3A_160 = arith.muli %scan3A_153, %mul3A_159 : i32
      %get3A_161 = arith.index_cast %mul3A_160 : i32 to index
      %get3A_162 = tpu.vector_load %arg10[%get3A_161] {strides = array<i32>} : memref<1600xi32, #tpu.memory_space<vmem>>, vector<16xi32>,
      %get3A_163 = vector.shape_cast %get3A_162 : vector<16xi32> to vector<16xi32>
      %mul3A_164 = arith.constant 1000 : i32
      %mul3A_165 = vector.broadcast %mul3A_164 : i32 to vector<16xi32>
      %mul3A_166 = arith.muli %get3A_158, %mul3A_165 : vector<16xi32>
      %add3A_167 = arith.addi %mul3A_166, %get3A_163 : vector<16xi32>
      %mul3A_168 = arith.constant 16 : i32
      %mul3A_169 = arith.muli %scan3A_153, %mul3A_168 : i32
      %swap3A_170 = arith.index_cast %mul3A_169 : i32 to index
      %swap3A_171 = tpu.vector_load %arg11[%swap3A_170] {strides = array<i32>} : memref<1600xi32, #tpu.memory_space<vmem>>, vector<16xi32>,
      %swap3A_172 = vector.shape_cast %swap3A_171 : vector<16xi32> to vector<16xi32>
      %swap3A_173 = vector.shape_cast %add3A_167 : vector<16xi32> to vector<16xi32>
      tpu.vector_store %arg11[%swap3A_170], %swap3A_173 {strides = array<i32>} : memref<1600xi32, #tpu.memory_space<vmem>>, vector<16xi32>,
      %scan3A_174 = arith.constant 0 : i32
      scf.yield %scan3A_174 : i32
    }
    %scan3A_8 = arith.constant 100 : i32
    %scan3A_9 = arith.constant 0 : i32
    %scan3A_10 = arith.constant 0 : i32
    %scan3A_11 = arith.constant 20 : i32
    %scan3A_12 = arith.addi %scan3A_10, %scan3A_11 : i32
    %scan3A_13 = arith.constant 1 : i32
    %scan3A_14 = scf.for %scan3A_153 = %scan3A_10 to %scan3A_12 step %scan3A_13 iter_args(%scan3A_154 = %scan3A_9) -> (i32)  : i32 {
      %mul3A_155 = arith.constant 80 : i32
      %mul3A_156 = arith.muli %scan3A_153, %mul3A_155 : i32
      %dma_start3A_157 = tpu.memref_slice %arg15[%mul3A_156] : memref<1600xf32, #tpu.memory_space<vmem>> -> memref<80xf32, #tpu.memory_space<vmem>>
      %dma_start3A_158 = tpu.memref_slice %arg11[%mul3A_156] : memref<1600xi32, #tpu.memory_space<vmem>> -> memref<80xi32, #tpu.memory_space<vmem>>
      %dma_start3A_159 = arith.constant 0 : i32
      %dma_start3A_160 = tpu.memref_slice %arg3[%dma_start3A_159] : memref<1000000xf32, #tpu.memory_space<hbm>> -> memref<1000000xf32, #tpu.memory_space<hbm>>
      tpu.enqueue_indirect_dma source(%dma_start3A_160 : memref<1000000xf32, #tpu.memory_space<hbm>>) target(%dma_start3A_157 : memref<80xf32, #tpu.memory_space<vmem>>) offsets(%dma_start3A_158 : memref<80xi32, #tpu.memory_space<vmem>>) semaphore(%arg24 : memref<!tpu.dma_semaphore, #tpu.memory_space<semaphore_mem>>)
      %dma_start3A_161 = tpu.memref_slice %arg16[%mul3A_156] : memref<1600xf32, #tpu.memory_space<vmem>> -> memref<80xf32, #tpu.memory_space<vmem>>
      %dma_start3A_162 = tpu.memref_slice %arg9[%mul3A_156] : memref<1600xi32, #tpu.memory_space<vmem>> -> memref<80xi32, #tpu.memory_space<vmem>>
      %dma_start3A_163 = arith.constant 0 : i32
      %dma_start3A_164 = tpu.memref_slice %arg4[%dma_start3A_163] : memref<1000xf32, #tpu.memory_space<hbm>> -> memref<1000xf32, #tpu.memory_space<hbm>>
      tpu.enqueue_indirect_dma source(%dma_start3A_164 : memref<1000xf32, #tpu.memory_space<hbm>>) target(%dma_start3A_161 : memref<80xf32, #tpu.memory_space<vmem>>) offsets(%dma_start3A_162 : memref<80xi32, #tpu.memory_space<vmem>>) semaphore(%arg24 : memref<!tpu.dma_semaphore, #tpu.memory_space<semaphore_mem>>)
      %scan3A_165 = arith.constant 0 : i32
      scf.yield %scan3A_165 : i32
    }
    %scan3A_15 = arith.constant 20 : i32
    %dma_start3A = arith.constant 0 : i32
    %dma_start3A_16 = tpu.memref_slice %arg9[%dma_start3A] : memref<1600xi32, #tpu.memory_space<vmem>> -> memref<32xi32, #tpu.memory_space<vmem>>
    %dma_start3A_17 = arith.constant 0 : i32
    %dma_start3A_18 = arith.constant 0 : i32
    %dma_start3A_19 = tpu.memref_slice %arg2[%dma_start3A_17, %dma_start3A_18] : memref<1000x1024xf32, #tpu.memory_space<hbm>> -> memref<1000x1024xf32, #tpu.memory_space<hbm>>
    tpu.enqueue_indirect_dma source(%dma_start3A_19 : memref<1000x1024xf32, #tpu.memory_space<hbm>>) target(%arg12 : memref<32x1024xf32, #tpu.memory_space<vmem>>) offsets(%dma_start3A_16 : memref<32xi32, #tpu.memory_space<vmem>>) semaphore(%arg18 : memref<!tpu.dma_semaphore, #tpu.memory_space<semaphore_mem>>)
    %dma_start3A_20 = arith.constant 32 : i32
    %dma_start3A_21 = tpu.memref_slice %arg9[%dma_start3A_20] : memref<1600xi32, #tpu.memory_space<vmem>> -> memref<32xi32, #tpu.memory_space<vmem>>
    %dma_start3A_22 = arith.constant 0 : i32
    %dma_start3A_23 = arith.constant 0 : i32
    %dma_start3A_24 = tpu.memref_slice %arg2[%dma_start3A_22, %dma_start3A_23] : memref<1000x1024xf32, #tpu.memory_space<hbm>> -> memref<1000x1024xf32, #tpu.memory_space<hbm>>
    tpu.enqueue_indirect_dma source(%dma_start3A_24 : memref<1000x1024xf32, #tpu.memory_space<hbm>>) target(%arg13 : memref<32x1024xf32, #tpu.memory_space<vmem>>) offsets(%dma_start3A_21 : memref<32xi32, #tpu.memory_space<vmem>>) semaphore(%arg19 : memref<!tpu.dma_semaphore, #tpu.memory_space<semaphore_mem>>)
    %dma_wait3A = arith.constant 0 : i32
    %dma_wait3A_25 = tpu.memref_slice %arg9[%dma_wait3A] : memref<1600xi32, #tpu.memory_space<vmem>> -> memref<32xi32, #tpu.memory_space<vmem>>
    %dma_wait3A_26 = arith.constant 0 : i32
    %dma_wait3A_27 = arith.constant 0 : i32
    %dma_wait3A_28 = tpu.memref_slice %arg2[%dma_wait3A_26, %dma_wait3A_27] : memref<1000x1024xf32, #tpu.memory_space<hbm>> -> memref<1000x1024xf32, #tpu.memory_space<hbm>>
    tpu.wait_indirect_dma semaphore(%arg18 : memref<!tpu.dma_semaphore, #tpu.memory_space<semaphore_mem>>) src(%dma_wait3A_28 : memref<1000x1024xf32, #tpu.memory_space<hbm>>) dst(%arg12 : memref<32x1024xf32, #tpu.memory_space<vmem>>)
    %add3A_29 = arith.constant 0 : i32
    %add3A_30 = arith.addi %mul3A_2, %add3A_29 : i32
    %dma_start3A_31 = arith.constant 0 : i32
    %dma_start3A_32 = tpu.memref_slice %arg7[%add3A_30, %dma_start3A_31] : memref<51200x1024xf32, #tpu.memory_space<hbm>> -> memref<32x1024xf32, #tpu.memory_space<hbm>>
    %dma_start3A_33 = arith.constant 0 : i32
    %dma_start3A_34 = tpu.memref_slice %arg7[%add3A_30, %dma_start3A_33] : memref<51200x1024xf32, #tpu.memory_space<hbm>> -> memref<32x1024xf32, #tpu.memory_space<hbm>>
    tpu.enqueue_dma source(%arg12 : memref<32x1024xf32, #tpu.memory_space<vmem>>) target(%dma_start3A_34 : memref<32x1024xf32, #tpu.memory_space<hbm>>) target_semaphore(%arg21 : memref<!tpu.dma_semaphore, #tpu.memory_space<semaphore_mem>>)
    %dma_start3A_35 = arith.constant 64 : i32
    %dma_start3A_36 = tpu.memref_slice %arg9[%dma_start3A_35] : memref<1600xi32, #tpu.memory_space<vmem>> -> memref<32xi32, #tpu.memory_space<vmem>>
    %dma_start3A_37 = arith.constant 0 : i32
    %dma_start3A_38 = arith.constant 0 : i32
    %dma_start3A_39 = tpu.memref_slice %arg2[%dma_start3A_37, %dma_start3A_38] : memref<1000x1024xf32, #tpu.memory_space<hbm>> -> memref<1000x1024xf32, #tpu.memory_space<hbm>>
    tpu.enqueue_indirect_dma source(%dma_start3A_39 : memref<1000x1024xf32, #tpu.memory_space<hbm>>) target(%arg14 : memref<32x1024xf32, #tpu.memory_space<vmem>>) offsets(%dma_start3A_36 : memref<32xi32, #tpu.memory_space<vmem>>) semaphore(%arg20 : memref<!tpu.dma_semaphore, #tpu.memory_space<semaphore_mem>>)
    %dma_wait3A_40 = arith.constant 32 : i32
    %dma_wait3A_41 = tpu.memref_slice %arg9[%dma_wait3A_40] : memref<1600xi32, #tpu.memory_space<vmem>> -> memref<32xi32, #tpu.memory_space<vmem>>
    %dma_wait3A_42 = arith.constant 0 : i32
    %dma_wait3A_43 = arith.constant 0 : i32
    %dma_wait3A_44 = tpu.memref_slice %arg2[%dma_wait3A_42, %dma_wait3A_43] : memref<1000x1024xf32, #tpu.memory_space<hbm>> -> memref<1000x1024xf32, #tpu.memory_space<hbm>>
    tpu.wait_indirect_dma semaphore(%arg19 : memref<!tpu.dma_semaphore, #tpu.memory_space<semaphore_mem>>) src(%dma_wait3A_44 : memref<1000x1024xf32, #tpu.memory_space<hbm>>) dst(%arg13 : memref<32x1024xf32, #tpu.memory_space<vmem>>)
    %add3A_45 = arith.constant 32 : i32
    %add3A_46 = arith.addi %mul3A_2, %add3A_45 : i32
    %dma_start3A_47 = arith.constant 0 : i32
    %dma_start3A_48 = tpu.memref_slice %arg7[%add3A_46, %dma_start3A_47] : memref<51200x1024xf32, #tpu.memory_space<hbm>> -> memref<32x1024xf32, #tpu.memory_space<hbm>>
    %dma_start3A_49 = arith.constant 0 : i32
    %dma_start3A_50 = tpu.memref_slice %arg7[%add3A_46, %dma_start3A_49] : memref<51200x1024xf32, #tpu.memory_space<hbm>> -> memref<32x1024xf32, #tpu.memory_space<hbm>>
    tpu.enqueue_dma source(%arg13 : memref<32x1024xf32, #tpu.memory_space<vmem>>) target(%dma_start3A_50 : memref<32x1024xf32, #tpu.memory_space<hbm>>) target_semaphore(%arg22 : memref<!tpu.dma_semaphore, #tpu.memory_space<semaphore_mem>>)
    %add3A_51 = arith.constant 0 : i32
    %add3A_52 = arith.addi %mul3A_2, %add3A_51 : i32
    %dma_wait3A_53 = arith.constant 0 : i32
    %dma_wait3A_54 = tpu.memref_slice %arg7[%add3A_52, %dma_wait3A_53] : memref<51200x1024xf32, #tpu.memory_space<hbm>> -> memref<32x1024xf32, #tpu.memory_space<hbm>>
    %dma_wait3A_55 = arith.constant 0 : i32
    %dma_wait3A_56 = tpu.memref_slice %arg7[%add3A_52, %dma_wait3A_55] : memref<51200x1024xf32, #tpu.memory_space<hbm>> -> memref<32x1024xf32, #tpu.memory_space<hbm>>
    tpu.wait_dma2 semaphore(%arg21 : memref<!tpu.dma_semaphore, #tpu.memory_space<semaphore_mem>>) src(%arg12 : memref<32x1024xf32, #tpu.memory_space<vmem>>) dst(%dma_wait3A_56 : memref<32x1024xf32, #tpu.memory_space<hbm>>)
    %dma_start3A_57 = arith.constant 96 : i32
    %dma_start3A_58 = tpu.memref_slice %arg9[%dma_start3A_57] : memref<1600xi32, #tpu.memory_space<vmem>> -> memref<32xi32, #tpu.memory_space<vmem>>
    %dma_start3A_59 = arith.constant 0 : i32
    %dma_start3A_60 = arith.constant 0 : i32
    %dma_start3A_61 = tpu.memref_slice %arg2[%dma_start3A_59, %dma_start3A_60] : memref<1000x1024xf32, #tpu.memory_space<hbm>> -> memref<1000x1024xf32, #tpu.memory_space<hbm>>
    tpu.enqueue_indirect_dma source(%dma_start3A_61 : memref<1000x1024xf32, #tpu.memory_space<hbm>>) target(%arg12 : memref<32x1024xf32, #tpu.memory_space<vmem>>) offsets(%dma_start3A_58 : memref<32xi32, #tpu.memory_space<vmem>>) semaphore(%arg18 : memref<!tpu.dma_semaphore, #tpu.memory_space<semaphore_mem>>)
    %dma_wait3A_62 = arith.constant 64 : i32
    %dma_wait3A_63 = tpu.memref_slice %arg9[%dma_wait3A_62] : memref<1600xi32, #tpu.memory_space<vmem>> -> memref<32xi32, #tpu.memory_space<vmem>>
    %dma_wait3A_64 = arith.constant 0 : i32
    %dma_wait3A_65 = arith.constant 0 : i32
    %dma_wait3A_66 = tpu.memref_slice %arg2[%dma_wait3A_64, %dma_wait3A_65] : memref<1000x1024xf32, #tpu.memory_space<hbm>> -> memref<1000x1024xf32, #tpu.memory_space<hbm>>
    tpu.wait_indirect_dma semaphore(%arg20 : memref<!tpu.dma_semaphore, #tpu.memory_space<semaphore_mem>>) src(%dma_wait3A_66 : memref<1000x1024xf32, #tpu.memory_space<hbm>>) dst(%arg14 : memref<32x1024xf32, #tpu.memory_space<vmem>>)
    %add3A_67 = arith.constant 64 : i32
    %add3A_68 = arith.addi %mul3A_2, %add3A_67 : i32
    %dma_start3A_69 = arith.constant 0 : i32
    %dma_start3A_70 = tpu.memref_slice %arg7[%add3A_68, %dma_start3A_69] : memref<51200x1024xf32, #tpu.memory_space<hbm>> -> memref<32x1024xf32, #tpu.memory_space<hbm>>
    %dma_start3A_71 = arith.constant 0 : i32
    %dma_start3A_72 = tpu.memref_slice %arg7[%add3A_68, %dma_start3A_71] : memref<51200x1024xf32, #tpu.memory_space<hbm>> -> memref<32x1024xf32, #tpu.memory_space<hbm>>
    tpu.enqueue_dma source(%arg14 : memref<32x1024xf32, #tpu.memory_space<vmem>>) target(%dma_start3A_72 : memref<32x1024xf32, #tpu.memory_space<hbm>>) target_semaphore(%arg23 : memref<!tpu.dma_semaphore, #tpu.memory_space<semaphore_mem>>)
    %add3A_73 = arith.constant 32 : i32
    %add3A_74 = arith.addi %mul3A_2, %add3A_73 : i32
    %dma_wait3A_75 = arith.constant 0 : i32
    %dma_wait3A_76 = tpu.memref_slice %arg7[%add3A_74, %dma_wait3A_75] : memref<51200x1024xf32, #tpu.memory_space<hbm>> -> memref<32x1024xf32, #tpu.memory_space<hbm>>
    %dma_wait3A_77 = arith.constant 0 : i32
    %dma_wait3A_78 = tpu.memref_slice %arg7[%add3A_74, %dma_wait3A_77] : memref<51200x1024xf32, #tpu.memory_space<hbm>> -> memref<32x1024xf32, #tpu.memory_space<hbm>>
    tpu.wait_dma2 semaphore(%arg22 : memref<!tpu.dma_semaphore, #tpu.memory_space<semaphore_mem>>) src(%arg13 : memref<32x1024xf32, #tpu.memory_space<vmem>>) dst(%dma_wait3A_78 : memref<32x1024xf32, #tpu.memory_space<hbm>>)
    %dma_start3A_79 = arith.constant 128 : i32
    %dma_start3A_80 = tpu.memref_slice %arg9[%dma_start3A_79] : memref<1600xi32, #tpu.memory_space<vmem>> -> memref<32xi32, #tpu.memory_space<vmem>>
    %dma_start3A_81 = arith.constant 0 : i32
    %dma_start3A_82 = arith.constant 0 : i32
    %dma_start3A_83 = tpu.memref_slice %arg2[%dma_start3A_81, %dma_start3A_82] : memref<1000x1024xf32, #tpu.memory_space<hbm>> -> memref<1000x1024xf32, #tpu.memory_space<hbm>>
    tpu.enqueue_indirect_dma source(%dma_start3A_83 : memref<1000x1024xf32, #tpu.memory_space<hbm>>) target(%arg13 : memref<32x1024xf32, #tpu.memory_space<vmem>>) offsets(%dma_start3A_80 : memref<32xi32, #tpu.memory_space<vmem>>) semaphore(%arg19 : memref<!tpu.dma_semaphore, #tpu.memory_space<semaphore_mem>>)
    %scan3A_84 = arith.constant 0 : i32
    %scan3A_85 = arith.constant 1 : i32
    %scan3A_86 = arith.constant 15 : i32
    %scan3A_87 = arith.addi %scan3A_85, %scan3A_86 : i32
    %scan3A_88 = arith.constant 1 : i32
    %scan3A_89 = scf.for %scan3A_153 = %scan3A_85 to %scan3A_87 step %scan3A_88 iter_args(%scan3A_154 = %scan3A_84) -> (i32)  : i32 {
      %mul3A_155 = arith.constant 3 : i32
      %mul3A_156 = arith.muli %mul3A_155, %scan3A_153 : i32
      %add3A_157 = arith.constant 0 : i32
      %add3A_158 = arith.addi %mul3A_156, %add3A_157 : i32
      %mul3A_159 = arith.constant 32 : i32
      %mul3A_160 = arith.muli %add3A_158, %mul3A_159 : i32
      %dma_wait3A_161 = tpu.memref_slice %arg9[%mul3A_160] : memref<1600xi32, #tpu.memory_space<vmem>> -> memref<32xi32, #tpu.memory_space<vmem>>
      %dma_wait3A_162 = arith.constant 0 : i32
      %dma_wait3A_163 = arith.constant 0 : i32
      %dma_wait3A_164 = tpu.memref_slice %arg2[%dma_wait3A_162, %dma_wait3A_163] : memref<1000x1024xf32, #tpu.memory_space<hbm>> -> memref<1000x1024xf32, #tpu.memory_space<hbm>>
      tpu.wait_indirect_dma semaphore(%arg18 : memref<!tpu.dma_semaphore, #tpu.memory_space<semaphore_mem>>) src(%dma_wait3A_164 : memref<1000x1024xf32, #tpu.memory_space<hbm>>) dst(%arg12 : memref<32x1024xf32, #tpu.memory_space<vmem>>)
      %mul3A_165 = arith.constant 32 : i32
      %mul3A_166 = arith.muli %add3A_158, %mul3A_165 : i32
      %add3A_167 = arith.addi %mul3A_2, %mul3A_166 : i32
      %dma_start3A_168 = arith.constant 0 : i32
      %dma_start3A_169 = tpu.memref_slice %arg7[%add3A_167, %dma_start3A_168] : memref<51200x1024xf32, #tpu.memory_space<hbm>> -> memref<32x1024xf32, #tpu.memory_space<hbm>>
      %dma_start3A_170 = arith.constant 0 : i32
      %dma_start3A_171 = tpu.memref_slice %arg7[%add3A_167, %dma_start3A_170] : memref<51200x1024xf32, #tpu.memory_space<hbm>> -> memref<32x1024xf32, #tpu.memory_space<hbm>>
      tpu.enqueue_dma source(%arg12 : memref<32x1024xf32, #tpu.memory_space<vmem>>) target(%dma_start3A_171 : memref<32x1024xf32, #tpu.memory_space<hbm>>) target_semaphore(%arg21 : memref<!tpu.dma_semaphore, #tpu.memory_space<semaphore_mem>>)
      %sub3A = arith.constant 1 : i32
      %sub3A_172 = arith.subi %add3A_158, %sub3A : i32
      %mul3A_173 = arith.constant 32 : i32
      %mul3A_174 = arith.muli %sub3A_172, %mul3A_173 : i32
      %add3A_175 = arith.addi %mul3A_2, %mul3A_174 : i32
      %dma_wait3A_176 = arith.constant 0 : i32
      %dma_wait3A_177 = tpu.memref_slice %arg7[%add3A_175, %dma_wait3A_176] : memref<51200x1024xf32, #tpu.memory_space<hbm>> -> memref<32x1024xf32, #tpu.memory_space<hbm>>
      %dma_wait3A_178 = arith.constant 0 : i32
      %dma_wait3A_179 = tpu.memref_slice %arg7[%add3A_175, %dma_wait3A_178] : memref<51200x1024xf32, #tpu.memory_space<hbm>> -> memref<32x1024xf32, #tpu.memory_space<hbm>>
      tpu.wait_dma2 semaphore(%arg23 : memref<!tpu.dma_semaphore, #tpu.memory_space<semaphore_mem>>) src(%arg14 : memref<32x1024xf32, #tpu.memory_space<vmem>>) dst(%dma_wait3A_179 : memref<32x1024xf32, #tpu.memory_space<hbm>>)
      %add3A_180 = arith.constant 2 : i32
      %add3A_181 = arith.addi %add3A_158, %add3A_180 : i32
      %mul3A_182 = arith.constant 32 : i32
      %mul3A_183 = arith.muli %add3A_181, %mul3A_182 : i32
      %dma_start3A_184 = tpu.memref_slice %arg9[%mul3A_183] : memref<1600xi32, #tpu.memory_space<vmem>> -> memref<32xi32, #tpu.memory_space<vmem>>
      %dma_start3A_185 = arith.constant 0 : i32
      %dma_start3A_186 = arith.constant 0 : i32
      %dma_start3A_187 = tpu.memref_slice %arg2[%dma_start3A_185, %dma_start3A_186] : memref<1000x1024xf32, #tpu.memory_space<hbm>> -> memref<1000x1024xf32, #tpu.memory_space<hbm>>
      tpu.enqueue_indirect_dma source(%dma_start3A_187 : memref<1000x1024xf32, #tpu.memory_space<hbm>>) target(%arg14 : memref<32x1024xf32, #tpu.memory_space<vmem>>) offsets(%dma_start3A_184 : memref<32xi32, #tpu.memory_space<vmem>>) semaphore(%arg20 : memref<!tpu.dma_semaphore, #tpu.memory_space<semaphore_mem>>)
      %mul3A_188 = arith.constant 3 : i32
      %mul3A_189 = arith.muli %mul3A_188, %scan3A_153 : i32
      %add3A_190 = arith.constant 1 : i32
      %add3A_191 = arith.addi %mul3A_189, %add3A_190 : i32
      %mul3A_192 = arith.constant 32 : i32
      %mul3A_193 = arith.muli %add3A_191, %mul3A_192 : i32
      %dma_wait3A_194 = tpu.memref_slice %arg9[%mul3A_193] : memref<1600xi32, #tpu.memory_space<vmem>> -> memref<32xi32, #tpu.memory_space<vmem>>
      %dma_wait3A_195 = arith.constant 0 : i32
      %dma_wait3A_196 = arith.constant 0 : i32
      %dma_wait3A_197 = tpu.memref_slice %arg2[%dma_wait3A_195, %dma_wait3A_196] : memref<1000x1024xf32, #tpu.memory_space<hbm>> -> memref<1000x1024xf32, #tpu.memory_space<hbm>>
      tpu.wait_indirect_dma semaphore(%arg19 : memref<!tpu.dma_semaphore, #tpu.memory_space<semaphore_mem>>) src(%dma_wait3A_197 : memref<1000x1024xf32, #tpu.memory_space<hbm>>) dst(%arg13 : memref<32x1024xf32, #tpu.memory_space<vmem>>)
      %mul3A_198 = arith.constant 32 : i32
      %mul3A_199 = arith.muli %add3A_191, %mul3A_198 : i32
      %add3A_200 = arith.addi %mul3A_2, %mul3A_199 : i32
      %dma_start3A_201 = arith.constant 0 : i32
      %dma_start3A_202 = tpu.memref_slice %arg7[%add3A_200, %dma_start3A_201] : memref<51200x1024xf32, #tpu.memory_space<hbm>> -> memref<32x1024xf32, #tpu.memory_space<hbm>>
      %dma_start3A_203 = arith.constant 0 : i32
      %dma_start3A_204 = tpu.memref_slice %arg7[%add3A_200, %dma_start3A_203] : memref<51200x1024xf32, #tpu.memory_space<hbm>> -> memref<32x1024xf32, #tpu.memory_space<hbm>>
      tpu.enqueue_dma source(%arg13 : memref<32x1024xf32, #tpu.memory_space<vmem>>) target(%dma_start3A_204 : memref<32x1024xf32, #tpu.memory_space<hbm>>) target_semaphore(%arg22 : memref<!tpu.dma_semaphore, #tpu.memory_space<semaphore_mem>>)
      %sub3A_205 = arith.constant 1 : i32
      %sub3A_206 = arith.subi %add3A_191, %sub3A_205 : i32
      %mul3A_207 = arith.constant 32 : i32
      %mul3A_208 = arith.muli %sub3A_206, %mul3A_207 : i32
      %add3A_209 = arith.addi %mul3A_2, %mul3A_208 : i32
      %dma_wait3A_210 = arith.constant 0 : i32
      %dma_wait3A_211 = tpu.memref_slice %arg7[%add3A_209, %dma_wait3A_210] : memref<51200x1024xf32, #tpu.memory_space<hbm>> -> memref<32x1024xf32, #tpu.memory_space<hbm>>
      %dma_wait3A_212 = arith.constant 0 : i32
      %dma_wait3A_213 = tpu.memref_slice %arg7[%add3A_209, %dma_wait3A_212] : memref<51200x1024xf32, #tpu.memory_space<hbm>> -> memref<32x1024xf32, #tpu.memory_space<hbm>>
      tpu.wait_dma2 semaphore(%arg21 : memref<!tpu.dma_semaphore, #tpu.memory_space<semaphore_mem>>) src(%arg12 : memref<32x1024xf32, #tpu.memory_space<vmem>>) dst(%dma_wait3A_213 : memref<32x1024xf32, #tpu.memory_space<hbm>>)
      %add3A_214 = arith.constant 2 : i32
      %add3A_215 = arith.addi %add3A_191, %add3A_214 : i32
      %mul3A_216 = arith.constant 32 : i32
      %mul3A_217 = arith.muli %add3A_215, %mul3A_216 : i32
      %dma_start3A_218 = tpu.memref_slice %arg9[%mul3A_217] : memref<1600xi32, #tpu.memory_space<vmem>> -> memref<32xi32, #tpu.memory_space<vmem>>
      %dma_start3A_219 = arith.constant 0 : i32
      %dma_start3A_220 = arith.constant 0 : i32
      %dma_start3A_221 = tpu.memref_slice %arg2[%dma_start3A_219, %dma_start3A_220] : memref<1000x1024xf32, #tpu.memory_space<hbm>> -> memref<1000x1024xf32, #tpu.memory_space<hbm>>
      tpu.enqueue_indirect_dma source(%dma_start3A_221 : memref<1000x1024xf32, #tpu.memory_space<hbm>>) target(%arg12 : memref<32x1024xf32, #tpu.memory_space<vmem>>) offsets(%dma_start3A_218 : memref<32xi32, #tpu.memory_space<vmem>>) semaphore(%arg18 : memref<!tpu.dma_semaphore, #tpu.memory_space<semaphore_mem>>)
      %mul3A_222 = arith.constant 3 : i32
      %mul3A_223 = arith.muli %mul3A_222, %scan3A_153 : i32
      %add3A_224 = arith.constant 2 : i32
      %add3A_225 = arith.addi %mul3A_223, %add3A_224 : i32
      %mul3A_226 = arith.constant 32 : i32
      %mul3A_227 = arith.muli %add3A_225, %mul3A_226 : i32
      %dma_wait3A_228 = tpu.memref_slice %arg9[%mul3A_227] : memref<1600xi32, #tpu.memory_space<vmem>> -> memref<32xi32, #tpu.memory_space<vmem>>
      %dma_wait3A_229 = arith.constant 0 : i32
      %dma_wait3A_230 = arith.constant 0 : i32
      %dma_wait3A_231 = tpu.memref_slice %arg2[%dma_wait3A_229, %dma_wait3A_230] : memref<1000x1024xf32, #tpu.memory_space<hbm>> -> memref<1000x1024xf32, #tpu.memory_space<hbm>>
      tpu.wait_indirect_dma semaphore(%arg20 : memref<!tpu.dma_semaphore, #tpu.memory_space<semaphore_mem>>) src(%dma_wait3A_231 : memref<1000x1024xf32, #tpu.memory_space<hbm>>) dst(%arg14 : memref<32x1024xf32, #tpu.memory_space<vmem>>)
      %mul3A_232 = arith.constant 32 : i32
      %mul3A_233 = arith.muli %add3A_225, %mul3A_232 : i32
      %add3A_234 = arith.addi %mul3A_2, %mul3A_233 : i32
      %dma_start3A_235 = arith.constant 0 : i32
      %dma_start3A_236 = tpu.memref_slice %arg7[%add3A_234, %dma_start3A_235] : memref<51200x1024xf32, #tpu.memory_space<hbm>> -> memref<32x1024xf32, #tpu.memory_space<hbm>>
      %dma_start3A_237 = arith.constant 0 : i32
      %dma_start3A_238 = tpu.memref_slice %arg7[%add3A_234, %dma_start3A_237] : memref<51200x1024xf32, #tpu.memory_space<hbm>> -> memref<32x1024xf32, #tpu.memory_space<hbm>>
      tpu.enqueue_dma source(%arg14 : memref<32x1024xf32, #tpu.memory_space<vmem>>) target(%dma_start3A_238 : memref<32x1024xf32, #tpu.memory_space<hbm>>) target_semaphore(%arg23 : memref<!tpu.dma_semaphore, #tpu.memory_space<semaphore_mem>>)
      %sub3A_239 = arith.constant 1 : i32
      %sub3A_240 = arith.subi %add3A_225, %sub3A_239 : i32
      %mul3A_241 = arith.constant 32 : i32
      %mul3A_242 = arith.muli %sub3A_240, %mul3A_241 : i32
      %add3A_243 = arith.addi %mul3A_2, %mul3A_242 : i32
      %dma_wait3A_244 = arith.constant 0 : i32
      %dma_wait3A_245 = tpu.memref_slice %arg7[%add3A_243, %dma_wait3A_244] : memref<51200x1024xf32, #tpu.memory_space<hbm>> -> memref<32x1024xf32, #tpu.memory_space<hbm>>
      %dma_wait3A_246 = arith.constant 0 : i32
      %dma_wait3A_247 = tpu.memref_slice %arg7[%add3A_243, %dma_wait3A_246] : memref<51200x1024xf32, #tpu.memory_space<hbm>> -> memref<32x1024xf32, #tpu.memory_space<hbm>>
      tpu.wait_dma2 semaphore(%arg22 : memref<!tpu.dma_semaphore, #tpu.memory_space<semaphore_mem>>) src(%arg13 : memref<32x1024xf32, #tpu.memory_space<vmem>>) dst(%dma_wait3A_247 : memref<32x1024xf32, #tpu.memory_space<hbm>>)
      %add3A_248 = arith.constant 2 : i32
      %add3A_249 = arith.addi %add3A_225, %add3A_248 : i32
      %mul3A_250 = arith.constant 32 : i32
      %mul3A_251 = arith.muli %add3A_249, %mul3A_250 : i32
      %dma_start3A_252 = tpu.memref_slice %arg9[%mul3A_251] : memref<1600xi32, #tpu.memory_space<vmem>> -> memref<32xi32, #tpu.memory_space<vmem>>
      %dma_start3A_253 = arith.constant 0 : i32
      %dma_start3A_254 = arith.constant 0 : i32
      %dma_start3A_255 = tpu.memref_slice %arg2[%dma_start3A_253, %dma_start3A_254] : memref<1000x1024xf32, #tpu.memory_space<hbm>> -> memref<1000x1024xf32, #tpu.memory_space<hbm>>
      tpu.enqueue_indirect_dma source(%dma_start3A_255 : memref<1000x1024xf32, #tpu.memory_space<hbm>>) target(%arg13 : memref<32x1024xf32, #tpu.memory_space<vmem>>) offsets(%dma_start3A_252 : memref<32xi32, #tpu.memory_space<vmem>>) semaphore(%arg19 : memref<!tpu.dma_semaphore, #tpu.memory_space<semaphore_mem>>)
      %scan3A_256 = arith.constant 0 : i32
      scf.yield %scan3A_256 : i32
    }
    %scan3A_90 = arith.constant 15 : i32
    %dma_wait3A_91 = arith.constant 1536 : i32
    %dma_wait3A_92 = tpu.memref_slice %arg9[%dma_wait3A_91] : memref<1600xi32, #tpu.memory_space<vmem>> -> memref<32xi32, #tpu.memory_space<vmem>>
    %dma_wait3A_93 = arith.constant 0 : i32
    %dma_wait3A_94 = arith.constant 0 : i32
    %dma_wait3A_95 = tpu.memref_slice %arg2[%dma_wait3A_93, %dma_wait3A_94] : memref<1000x1024xf32, #tpu.memory_space<hbm>> -> memref<1000x1024xf32, #tpu.memory_space<hbm>>
    tpu.wait_indirect_dma semaphore(%arg18 : memref<!tpu.dma_semaphore, #tpu.memory_space<semaphore_mem>>) src(%dma_wait3A_95 : memref<1000x1024xf32, #tpu.memory_space<hbm>>) dst(%arg12 : memref<32x1024xf32, #tpu.memory_space<vmem>>)
    %add3A_96 = arith.constant 1536 : i32
    %add3A_97 = arith.addi %mul3A_2, %add3A_96 : i32
    %dma_start3A_98 = arith.constant 0 : i32
    %dma_start3A_99 = tpu.memref_slice %arg7[%add3A_97, %dma_start3A_98] : memref<51200x1024xf32, #tpu.memory_space<hbm>> -> memref<32x1024xf32, #tpu.memory_space<hbm>>
    %dma_start3A_100 = arith.constant 0 : i32
    %dma_start3A_101 = tpu.memref_slice %arg7[%add3A_97, %dma_start3A_100] : memref<51200x1024xf32, #tpu.memory_space<hbm>> -> memref<32x1024xf32, #tpu.memory_space<hbm>>
    tpu.enqueue_dma source(%arg12 : memref<32x1024xf32, #tpu.memory_space<vmem>>) target(%dma_start3A_101 : memref<32x1024xf32, #tpu.memory_space<hbm>>) target_semaphore(%arg21 : memref<!tpu.dma_semaphore, #tpu.memory_space<semaphore_mem>>)
    %add3A_102 = arith.constant 1504 : i32
    %add3A_103 = arith.addi %mul3A_2, %add3A_102 : i32
    %dma_wait3A_104 = arith.constant 0 : i32
    %dma_wait3A_105 = tpu.memref_slice %arg7[%add3A_103, %dma_wait3A_104] : memref<51200x1024xf32, #tpu.memory_space<hbm>> -> memref<32x1024xf32, #tpu.memory_space<hbm>>
    %dma_wait3A_106 = arith.constant 0 : i32
    %dma_wait3A_107 = tpu.memref_slice %arg7[%add3A_103, %dma_wait3A_106] : memref<51200x1024xf32, #tpu.memory_space<hbm>> -> memref<32x1024xf32, #tpu.memory_space<hbm>>
    tpu.wait_dma2 semaphore(%arg23 : memref<!tpu.dma_semaphore, #tpu.memory_space<semaphore_mem>>) src(%arg14 : memref<32x1024xf32, #tpu.memory_space<vmem>>) dst(%dma_wait3A_107 : memref<32x1024xf32, #tpu.memory_space<hbm>>)
    %dma_wait3A_108 = arith.constant 1568 : i32
    %dma_wait3A_109 = tpu.memref_slice %arg9[%dma_wait3A_108] : memref<1600xi32, #tpu.memory_space<vmem>> -> memref<32xi32, #tpu.memory_space<vmem>>
    %dma_wait3A_110 = arith.constant 0 : i32
    %dma_wait3A_111 = arith.constant 0 : i32
    %dma_wait3A_112 = tpu.memref_slice %arg2[%dma_wait3A_110, %dma_wait3A_111] : memref<1000x1024xf32, #tpu.memory_space<hbm>> -> memref<1000x1024xf32, #tpu.memory_space<hbm>>
    tpu.wait_indirect_dma semaphore(%arg19 : memref<!tpu.dma_semaphore, #tpu.memory_space<semaphore_mem>>) src(%dma_wait3A_112 : memref<1000x1024xf32, #tpu.memory_space<hbm>>) dst(%arg13 : memref<32x1024xf32, #tpu.memory_space<vmem>>)
    %add3A_113 = arith.constant 1568 : i32
    %add3A_114 = arith.addi %mul3A_2, %add3A_113 : i32
    %dma_start3A_115 = arith.constant 0 : i32
    %dma_start3A_116 = tpu.memref_slice %arg7[%add3A_114, %dma_start3A_115] : memref<51200x1024xf32, #tpu.memory_space<hbm>> -> memref<32x1024xf32, #tpu.memory_space<hbm>>
    %dma_start3A_117 = arith.constant 0 : i32
    %dma_start3A_118 = tpu.memref_slice %arg7[%add3A_114, %dma_start3A_117] : memref<51200x1024xf32, #tpu.memory_space<hbm>> -> memref<32x1024xf32, #tpu.memory_space<hbm>>
    tpu.enqueue_dma source(%arg13 : memref<32x1024xf32, #tpu.memory_space<vmem>>) target(%dma_start3A_118 : memref<32x1024xf32, #tpu.memory_space<hbm>>) target_semaphore(%arg22 : memref<!tpu.dma_semaphore, #tpu.memory_space<semaphore_mem>>)
    %add3A_119 = arith.constant 1536 : i32
    %add3A_120 = arith.addi %mul3A_2, %add3A_119 : i32
    %dma_wait3A_121 = arith.constant 0 : i32
    %dma_wait3A_122 = tpu.memref_slice %arg7[%add3A_120, %dma_wait3A_121] : memref<51200x1024xf32, #tpu.memory_space<hbm>> -> memref<32x1024xf32, #tpu.memory_space<hbm>>
    %dma_wait3A_123 = arith.constant 0 : i32
    %dma_wait3A_124 = tpu.memref_slice %arg7[%add3A_120, %dma_wait3A_123] : memref<51200x1024xf32, #tpu.memory_space<hbm>> -> memref<32x1024xf32, #tpu.memory_space<hbm>>
    tpu.wait_dma2 semaphore(%arg21 : memref<!tpu.dma_semaphore, #tpu.memory_space<semaphore_mem>>) src(%arg12 : memref<32x1024xf32, #tpu.memory_space<vmem>>) dst(%dma_wait3A_124 : memref<32x1024xf32, #tpu.memory_space<hbm>>)
    %add3A_125 = arith.constant 1568 : i32
    %add3A_126 = arith.addi %mul3A_2, %add3A_125 : i32
    %dma_wait3A_127 = arith.constant 0 : i32
    %dma_wait3A_128 = tpu.memref_slice %arg7[%add3A_126, %dma_wait3A_127] : memref<51200x1024xf32, #tpu.memory_space<hbm>> -> memref<32x1024xf32, #tpu.memory_space<hbm>>
    %dma_wait3A_129 = arith.constant 0 : i32
    %dma_wait3A_130 = tpu.memref_slice %arg7[%add3A_126, %dma_wait3A_129] : memref<51200x1024xf32, #tpu.memory_space<hbm>> -> memref<32x1024xf32, #tpu.memory_space<hbm>>
    tpu.wait_dma2 semaphore(%arg22 : memref<!tpu.dma_semaphore, #tpu.memory_space<semaphore_mem>>) src(%arg13 : memref<32x1024xf32, #tpu.memory_space<vmem>>) dst(%dma_wait3A_130 : memref<32x1024xf32, #tpu.memory_space<hbm>>)
    %scan3A_131 = arith.constant 0 : i32
    %scan3A_132 = arith.constant 0 : i32
    %scan3A_133 = arith.constant 20 : i32
    %scan3A_134 = arith.addi %scan3A_132, %scan3A_133 : i32
    %scan3A_135 = arith.constant 1 : i32
    %scan3A_136 = scf.for %scan3A_153 = %scan3A_132 to %scan3A_134 step %scan3A_135 iter_args(%scan3A_154 = %scan3A_131) -> (i32)  : i32 {
      %mul3A_155 = arith.constant 80 : i32
      %mul3A_156 = arith.muli %scan3A_153, %mul3A_155 : i32
      %dma_wait3A_157 = tpu.memref_slice %arg15[%mul3A_156] : memref<1600xf32, #tpu.memory_space<vmem>> -> memref<80xf32, #tpu.memory_space<vmem>>
      %dma_wait3A_158 = tpu.memref_slice %arg11[%mul3A_156] : memref<1600xi32, #tpu.memory_space<vmem>> -> memref<80xi32, #tpu.memory_space<vmem>>
      %dma_wait3A_159 = arith.constant 0 : i32
      %dma_wait3A_160 = tpu.memref_slice %arg3[%dma_wait3A_159] : memref<1000000xf32, #tpu.memory_space<hbm>> -> memref<1000000xf32, #tpu.memory_space<hbm>>
      tpu.wait_indirect_dma semaphore(%arg24 : memref<!tpu.dma_semaphore, #tpu.memory_space<semaphore_mem>>) src(%dma_wait3A_160 : memref<1000000xf32, #tpu.memory_space<hbm>>) dst(%dma_wait3A_157 : memref<80xf32, #tpu.memory_space<vmem>>)
      %dma_wait3A_161 = tpu.memref_slice %arg16[%mul3A_156] : memref<1600xf32, #tpu.memory_space<vmem>> -> memref<80xf32, #tpu.memory_space<vmem>>
      %dma_wait3A_162 = tpu.memref_slice %arg9[%mul3A_156] : memref<1600xi32, #tpu.memory_space<vmem>> -> memref<80xi32, #tpu.memory_space<vmem>>
      %dma_wait3A_163 = arith.constant 0 : i32
      %dma_wait3A_164 = tpu.memref_slice %arg4[%dma_wait3A_163] : memref<1000xf32, #tpu.memory_space<hbm>> -> memref<1000xf32, #tpu.memory_space<hbm>>
      tpu.wait_indirect_dma semaphore(%arg24 : memref<!tpu.dma_semaphore, #tpu.memory_space<semaphore_mem>>) src(%dma_wait3A_164 : memref<1000xf32, #tpu.memory_space<hbm>>) dst(%dma_wait3A_161 : memref<80xf32, #tpu.memory_space<vmem>>)
      %scan3A_165 = arith.constant 0 : i32
      scf.yield %scan3A_165 : i32
    }
    %scan3A_137 = arith.constant 20 : i32
    %broadcast_in_dim3A = arith.constant 0.000000e+00 : f32
    %broadcast_in_dim3A_138 = vector.broadcast %broadcast_in_dim3A : f32 to vector<16xf32>
    %scan3A_139 = arith.constant 0 : i32
    %scan3A_140 = arith.constant 100 : i32
    %scan3A_141 = arith.addi %scan3A_139, %scan3A_140 : i32
    %scan3A_142 = arith.constant 1 : i32
    %scan3A_143 = scf.for %scan3A_153 = %scan3A_139 to %scan3A_141 step %scan3A_142 iter_args(%scan3A_154 = %broadcast_in_dim3A_138) -> (vector<16xf32>)  : i32 {
      %mul3A_155 = arith.constant 16 : i32
      %mul3A_156 = arith.muli %scan3A_153, %mul3A_155 : i32
      %get3A = arith.index_cast %mul3A_156 : i32 to index
      %get3A_157 = tpu.vector_load %arg16[%get3A] {strides = array<i32>} : memref<1600xf32, #tpu.memory_space<vmem>>, vector<16xf32>,
      %get3A_158 = vector.shape_cast %get3A_157 : vector<16xf32> to vector<16xf32>
      %mul3A_159 = arith.constant 16 : i32
      %mul3A_160 = arith.muli %scan3A_153, %mul3A_159 : i32
      %get3A_161 = arith.index_cast %mul3A_160 : i32 to index
      %get3A_162 = tpu.vector_load %arg15[%get3A_161] {strides = array<i32>} : memref<1600xf32, #tpu.memory_space<vmem>>, vector<16xf32>,
      %get3A_163 = vector.shape_cast %get3A_162 : vector<16xf32> to vector<16xf32>
      %sub3A = arith.subf %get3A_158, %get3A_163 : vector<16xf32>
      %add3A_164 = arith.addf %scan3A_154, %sub3A : vector<16xf32>
      scf.yield %add3A_164 : vector<16xf32>
    }
    %scan3A_144 = arith.constant 100 : i32
    %mul3A_145 = arith.constant 1.95312496E-5 : f32
    %mul3A_146 = vector.broadcast %mul3A_145 : f32 to vector<16xf32>
    %mul3A_147 = arith.mulf %scan3A_143, %mul3A_146 : vector<16xf32>
    %swap3A = arith.constant 0 : index
    %swap3A_148 = tpu.vector_load %arg17[%swap3A] {strides = array<i32>} : memref<16xf32, #tpu.memory_space<vmem>>, vector<16xf32>,
    %swap3A_149 = vector.shape_cast %swap3A_148 : vector<16xf32> to vector<16xf32>
    %swap3A_150 = vector.shape_cast %mul3A_147 : vector<16xf32> to vector<16xf32>
    tpu.vector_store %arg17[%swap3A], %swap3A_150 {strides = array<i32>} : memref<16xf32, #tpu.memory_space<vmem>>, vector<16xf32>,
    %mul3A_151 = arith.constant 16 : i32
    %mul3A_152 = arith.muli %add3A, %mul3A_151 : i32
    "tpu.region"() ({
      %run_scoped3A = tpu.sem_alloc : memref<!tpu.dma_semaphore, #tpu.memory_space<semaphore_mem>>
      %dma_start3A_153 = tpu.memref_slice %arg8[%mul3A_152] : memref<512xf32, #tpu.memory_space<hbm>> -> memref<16xf32, #tpu.memory_space<hbm>>
      %dma_start3A_154 = tpu.memref_slice %arg8[%mul3A_152] : memref<512xf32, #tpu.memory_space<hbm>> -> memref<16xf32, #tpu.memory_space<hbm>>
      tpu.enqueue_dma source(%arg17 : memref<16xf32, #tpu.memory_space<vmem>>) target(%dma_start3A_154 : memref<16xf32, #tpu.memory_space<hbm>>) target_semaphore(%run_scoped3A : memref<!tpu.dma_semaphore, #tpu.memory_space<semaphore_mem>>)
      %dma_wait3A_155 = tpu.memref_slice %arg8[%mul3A_152] : memref<512xf32, #tpu.memory_space<hbm>> -> memref<16xf32, #tpu.memory_space<hbm>>
      %dma_wait3A_156 = tpu.memref_slice %arg8[%mul3A_152] : memref<512xf32, #tpu.memory_space<hbm>> -> memref<16xf32, #tpu.memory_space<hbm>>
      tpu.wait_dma2 semaphore(%run_scoped3A : memref<!tpu.dma_semaphore, #tpu.memory_space<semaphore_mem>>) src(%arg17 : memref<16xf32, #tpu.memory_space<vmem>>) dst(%dma_wait3A_156 : memref<16xf32, #tpu.memory_space<hbm>>)
      tpu.yield
    }) : () -> ()
    return
  }
}

module attributes {stable_mosaic.version = 14 : i64} {
  func.func @_lse_body(%arg0: memref<1000x1000xf32, #tpu.memory_space<vmem>>, %arg1: memref<1000x1xf32, #tpu.memory_space<vmem>>) attributes {dimension_semantics = [], scalar_prefetch = 0 : i64, scratch_operands = 0 : i64, tpu.core_type = #tpu.core_type<tc>} {
    %get3A = arith.constant 0 : index
    %get3A_0 = arith.constant 0 : index
    %get3A_1 = vector.load %arg0[%get3A, %get3A_0] : memref<1000x1000xf32, #tpu.memory_space<vmem>>, vector<1000x1000xf32>
    %reduce_max3A = arith.constant dense<0xFF800000> : vector<1000xf32>
    %reduce_max3A_2 = vector.multi_reduction <maximumf>, %get3A_1, %reduce_max3A [1] : vector<1000x1000xf32> to vector<1000xf32>
    %broadcast_in_dim3A = vector.shape_cast %reduce_max3A_2 : vector<1000xf32> to vector<1000x1xf32>
    %sub3A = vector.broadcast %broadcast_in_dim3A : vector<1000x1xf32> to vector<1000x1000xf32>
    %sub3A_3 = arith.subf %get3A_1, %sub3A : vector<1000x1000xf32>
    %exp3A = math.exp %sub3A_3 : vector<1000x1000xf32>
    %reduce_sum3A = arith.constant dense<0.000000e+00> : vector<1000xf32>
    %reduce_sum3A_4 = vector.multi_reduction <add>, %exp3A, %reduce_sum3A [1] : vector<1000x1000xf32> to vector<1000xf32>
    %broadcast_in_dim3A_5 = vector.shape_cast %reduce_sum3A_4 : vector<1000xf32> to vector<1000x1xf32>
    %log3A = math.log %broadcast_in_dim3A_5 : vector<1000x1xf32>
    %add3A = arith.addf %broadcast_in_dim3A, %log3A : vector<1000x1xf32>
    %swap3A = arith.constant 0 : index
    %swap3A_6 = arith.constant 0 : index
    %swap3A_7 = vector.load %arg1[%swap3A, %swap3A_6] : memref<1000x1xf32, #tpu.memory_space<vmem>>, vector<1000x1xf32>
    tpu.vector_store %arg1[%swap3A, %swap3A_6], %add3A {strides = array<i32>} : memref<1000x1xf32, #tpu.memory_space<vmem>>, vector<1000x1xf32>,
    return
  }
}

</mosaic_0001>

<sc_bundles>
// kernel: kernel.4.cloned.1.call-start
scs
__scs_entry_jumppad:
0x0: {  	(pc) =	sbr.rel $0x88, $3  }
0x1: {  	(tag) =	ssettag $0x0;
	lr =	simm.s32 $0x1  }
0x2: {  	[smem:$0x3F9E] =	sst lr;
	_ =	strace $0xD0000000  }
0x3: {  	_ = 	snop  }
0x4: {  	_ = 	snop  }
0x5: {  	_ = 	snop  }
0x6: {  	_ = 	snop  }
0x7: {  	_ = 	snop  }
__scs_overlays_trampoline_lowered:
0x8: {  	[smem:$0x3FAD] =	sst s0  }
0x9: {  	[smem:$0x3FAE] =	sst s1  }
0xa: {  	[smem:$0x3FAF] =	sst s2  }
0xb: {  	[smem:$0x3FB0] =	sst s3  }
0xc: {  	[smem:$0x3FB1] =	sst s4  }
0xd: {  	[smem:$0x3FB2] =	sst s5  }
0xe: {  	[smem:$0x3FB3] =	sst s6  }
0xf: {  	[smem:$0x3FB4] =	sst s7  }
0x10: {  	[smem:$0x3FB5] =	sst s8  }
0x11: {  	[smem:$0x3FB6] =	sst s9;
	s0 =	simm.s32 @!p0 $0x0  }
0x12: {  	s1 =	sld [smem:$0x3F9C];
	s0 =	simm.s32 @p0 $0x1  }
0x13: {  	[smem:$0x3FB7] =	sst s0;
	s0 =	simm.s32 @!p1 $0x0  }
0x14: {  	s2 =	sld [smem:$0x3F9B];
	s0 =	simm.s32 @p1 $0x1  }
0x15: {  	[smem:$0x3FB8] =	sst s0;
	s0 =	simm.s32 @!p2 $0x0  }
0x16: {  	s3 =	sld [smem:$0x3FDB];
	s0 =	simm.s32 @p2 $0x1  }
0x17: {  	s4 =	simm.s32 $0x1BF5;
	[smem:$0x3FBA] =	sst s0  }
0x18: {  	s0 =	sld [smem:$0x3F9D];
	_ =	swait.ge [sflag:s4], $0x0  }
0x19: {  	s7 =	sld [smem:$0x3F9E]  }
0x1a: {  	s8 =	sadd.s32 $0xFFFFE003, lr  }
0x1b: {  	s9 =	sadd.s32 $0xFFFFFEF7, lr;
	s5 =	simm.s32 $0xFFFFFFFF;
	p2 =	slt.u32 s8, $0xFFFFF086  }
0x1c: {  	p1 =	slt.u32 s9, $0xF7A;
	s5 =	simm.s32 @!p2 $0x0  }
0x1d: {  	s5 =	simm.s32 @p1 $0x1;
	p0 =	seq.s32 s7, s2  }
0x1e: {  	s7 =	smul.u32 @!p0 $0xF7A, s2;
	p2 =	seq.s32 @!p0 s5, $0x0  }
0x1f: {  	s9 =	smul.u32 $0xF7A, s1;
	s8 =	simm.s32 @!p0 $0x1BF5;
	p2 =	por !p2, p0  }
0x20: {  	[sflag:s8] =	ssyncset.s32 @!p0 $0xFFFFF086;
	s6 =	sadd.s32 @!p0 s3, s7;
	s7 =	simm.s32 @!p0 $0x108  }
0x21: {  	s3 =	sadd.s32 s3, s9;
	s6 =	sadd.s32 @!p0 $0x88, s6;
	s7 =	simm.s32 @p2 $0x1082  }
0x22: {  	[simem:s7], [sflag:s8] =	dma.local @!p0 [hbm:s6], $0xF7A  }
0x23: {  	s9 =	sor.u32 $0xD0000000, s2;
	s6 =	simm.s32 $0x108;
	_ =	swait.ge @!p0 [sflag:s8], $0x0  }
0x24: {  	s3 =	sadd.s32 $0x88, s3;
	s6 =	simm.s32 @!p1 $0x1082;
	[sflag:s4] =	ssyncset.s32 $0xFFFFF086  }
0x25: {  	[simem:s6], [sflag:s4] =	dma.local [hbm:s3], $0xF7A  }
0x26: {  	[smem:$0x3F9E] =	sst s1;
	(tag) =	ssettag s2;
	_ =	strace s9  }
0x27: {  	s1 =	sld [smem:$0x3FAE]  }
0x28: {  	s2 =	sld [smem:$0x3FAF]  }
0x29: {  	s4 =	sld [smem:$0x3FB1]  }
0x2a: {  	p0 =	seq.s32 s5, $0x0;
	s5 =	sld [smem:$0x3FB2]  }
0x2b: {  	s6 =	sld [smem:$0x3FB3]  }
0x2c: {  	s7 =	sld [smem:$0x3FB4]  }
0x2d: {  	s3 =	simm.s32 $0x108;
	s8 =	sld [smem:$0x3FB5]  }
0x2e: {  	s3 =	simm.s32 @!p0 $0x1082;
	s9 =	sld [smem:$0x3FB6]  }
0x2f: {  	lr =	sadd.s32 s0, s3;
	s0 =	sld [smem:$0x3FAD]  }
0x30: {  	s3 =	sld [smem:$0x3FB0]  }
0x31: {  	[smem:$0x3FB9] =	sst s10  }
0x32: {  	s10 =	sld [smem:$0x3FB7];
	_ =	sdelay $0x3  }
0x33: {  	p0 =	seq.s32 s10, $0x1;
	s10 =	sld [smem:$0x3FB9];
	_ =	sdelay $0x3  }
0x34: {  	[smem:$0x3FB9] =	sst s10  }
0x35: {  	s10 =	sld [smem:$0x3FB8];
	_ =	sdelay $0x3  }
0x36: {  	p1 =	seq.s32 s10, $0x1;
	s10 =	sld [smem:$0x3FB9];
	_ =	sdelay $0x3  }
0x37: {  	[smem:$0x3FB9] =	sst s10  }
0x38: {  	s10 =	sld [smem:$0x3FBA]  }
0x39: {  	_ = 	snop;
	(pc) =	sbr.ind lr, $3  }
0x3a: {  	_ = 	snop  }
0x3b: {  	_ = 	snop  }
0x3c: {  	p2 =	seq.s32 s10, $0x1;
	s10 =	sld [smem:$0x3FB9]  }
0x3d: {  	_ =	shalt  }
0x3e: {  	_ =	shalt  }
0x3f: {  	_ =	shalt  }
0x40: {  	_ =	shalt  }
0x41: {  	_ =	shalt  }
0x42: {  	_ =	shalt  }
0x43: {  	_ =	shalt  }
0x44: {  	_ =	shalt  }
0x45: {  	_ =	shalt  }
0x46: {  	_ =	shalt  }
0x47: {  	_ =	shalt  }
0x48: {  	_ =	shalt  }
0x49: {  	_ =	shalt  }
0x4a: {  	_ =	shalt  }
0x4b: {  	_ =	shalt  }
0x4c: {  	_ =	shalt  }
0x4d: {  	_ =	shalt  }
0x4e: {  	_ =	shalt  }
0x4f: {  	_ =	shalt  }
0x50: {  	_ =	shalt  }
0x51: {  	_ =	shalt  }
0x52: {  	_ =	shalt  }
0x53: {  	_ =	shalt  }
0x54: {  	_ =	shalt  }
0x55: {  	_ =	shalt  }
0x56: {  	_ =	shalt  }
0x57: {  	_ =	shalt  }
0x58: {  	_ =	shalt  }
0x59: {  	_ =	shalt  }
0x5a: {  	_ =	shalt  }
0x5b: {  	_ =	shalt  }
0x5c: {  	_ =	shalt  }
0x5d: {  	_ =	shalt  }
0x5e: {  	_ =	shalt  }
0x5f: {  	_ =	shalt  }
0x60: {  	_ =	shalt  }
0x61: {  	_ =	shalt  }
0x62: {  	_ =	shalt  }
0x63: {  	_ =	shalt  }
0x64: {  	_ =	shalt  }
0x65: {  	_ =	shalt  }
0x66: {  	_ =	shalt  }
0x67: {  	_ =	shalt  }
0x68: {  	_ =	shalt  }
0x69: {  	_ =	shalt  }
0x6a: {  	_ =	shalt  }
0x6b: {  	_ =	shalt  }
0x6c: {  	_ =	shalt  }
0x6d: {  	_ =	shalt  }
0x6e: {  	_ =	shalt  }
0x6f: {  	_ =	shalt  }
0x70: {  	_ =	shalt  }
0x71: {  	_ =	shalt  }
0x72: {  	_ =	shalt  }
0x73: {  	_ =	shalt  }
0x74: {  	_ =	shalt  }
0x75: {  	_ =	shalt  }
0x76: {  	_ =	shalt  }
0x77: {  	_ =	shalt  }
0x78: {  	_ =	shalt  }
0x79: {  	_ =	shalt  }
0x7a: {  	_ =	shalt  }
0x7b: {  	_ =	shalt  }
0x7c: {  	_ =	shalt  }
0x7d: {  	_ =	shalt  }
0x7e: {  	_ =	shalt  }
0x7f: {  	_ =	shalt  }
0x80: {  	_ =	shalt  }
0x81: {  	_ =	shalt  }
0x82: {  	_ =	shalt  }
0x83: {  	_ =	shalt  }
0x84: {  	_ =	shalt  }
0x85: {  	_ =	shalt  }
0x86: {  	_ =	shalt  }
0x87: {  	_ =	shalt  }
.Lfunc_end0:
.L_simem_size_0:
called_computation.1_lowered:
.L_overlay_start_0:
0x88: {  	s2 =	sld [smem:$0x3FD9]  }
0x89: {  	s3 =	sld [smem:$0x3FFE];
	_ =	sdelay $0x1  }
0x8a: {  	s1 =	srdreg.scid  }
0x8b: {  	s0 =	sand.u32 $0x1, s1  }
0x8c: {  	s14 =	sshll.u32 s0, $0xA;
	s2 =	sadd.s32 s3, s2  }
0x8d: {  	s2 =	sadd.s32 s2, s14  }
0x8e: {  	[smem:$0x3FC5] =	sst s2  }
0x8f: {  	_ = 	snop  }
0x90: {  	s2 =	sld [smem:$0x3FD0];
	_ =	sdelay $0x2  }
0x91: {  	s15 =	simm.s32 $0xA;
	s4 =	simm.s32 $0x10  }
0x92: {  	[smem:s4], [sflag:s15] =	dma.local [hbm:s2], $0x1  }
0x93: {  	_ =	swait.eq [sflag:s15], $0x1  }
0x94: {  	[sflag:s15] =	ssyncset.done $0x0  }
0x95: {  	[sflag:s15] =	ssyncadd.s32 $0xFFFFFFFF  }
0x96: {  	s16 =	sld [smem:$0x10];
	(tm) =	ssettm $0x1  }
0x97: {  	s17 =	sld [smem:$0x3FFB];
	_ =	sdelay $0x3  }
0x98: {  	_ =	strace s17  }
0x99: {  	s3 =	sld [smem:$0x3FFC];
	_ =	sdelay $0x3  }
0x9a: {  	_ =	strace s3  }
0x9b: {  	s3 =	sld [smem:$0x3FFD];
	_ =	sdelay $0x3  }
0x9c: {  	_ =	strace s3  }
0x9d: {  	_ =	strace $0x8FFFFFFF  }
0x9e: {  	s18 =	sld [smem:$0x3FDB];
	_ =	sdelay $0x1  }
0x9f: {  	s19 =	simm.s32 $_scs_section_size  }
0xa0: {  	s5 =	simm.s32 $_size__tile_overlayer_lowered;
	s6 =	simm.s32 $_tile_overlayer_lowered  }
0xa1: {  	s22 =	simm.s32 $0x1BFF;
	s21 =	sshll.u32 s6, $0x1;
	s3 =	sadd.s32 s19, s18  }
0xa2: {  	s7 =	simm.s32 $0x0;
	s20 =	sshll.u32 s5, $0x1;
	s5 =	sadd.s32 s21, s3  }
0xa3: {  	[timem:s7], [sflag:s22] =	dma.local [hbm:s5], s20  }
0xa4: {  	_ =	swait.ge [sflag:s22], s20  }
0xa5: {  	s4 =	ssub.s32 $0x0, s20;
	[sflag:s22] =	ssyncset.done $0x0  }
0xa6: {  	[sflag:s22] =	ssyncadd.s32 s4;
	_ =	sdelay $0x1  }
0xa7: {  	s23 =	simm.s32 $0x1B8B  }
0xa8: {  	_ =	swait.ge [sflag:s23], $0x1  }
0xa9: {  	[sflag:s23] =	ssyncset.done $0x0  }
0xaa: {  	s25 =	simm.s32 $0x1B8E;
	s24 =	sld [smem:$0x3FFE];
	[sflag:s23] =	ssyncadd.s32 $0xFFFFFFFF  }
0xab: {  	s26 =	simm.s32 $execute0_lowered;
	[smem:$0x3FD2] =	sst s25  }
0xac: {  	s5 =	sshll.u32 s26, $0x1;
	_ =	strace $0x80000046;
	[dreg:$0x1] =	wrdreg $0xFFFFFFFF  }
0xad: {  	s28 =	simm.s32 $_size_execute0_lowered;
	s3 =	sadd.s32 s3, s5;
	[dreg:$0x0] =	wrdreg $0x0  }
0xae: {  	s5 =	sshll.u32 s28, $0x1;
	[dreg:$0x2] =	wrdreg s3  }
0xaf: {  	[dreg:$0x3] =	wrdreg s5  }
0xb0: {  	[dreg:$0x4] =	wrdreg $0xC0  }
0xb1: {  	_ =	task [dreg:s7], $0x5FFFF  }
0xb2: {  	[dreg:$0x1] =	wrdreg $0xFFFFFFFF  }
0xb3: {  	[dreg:$0x0] =	wrdreg $0x60  }
0xb4: {  	[dreg:$0x2] =	wrdreg s16  }
0xb5: {  	[dreg:$0x3] =	wrdreg s24  }
0xb6: {  	[dreg:$0x4] =	wrdreg $0x9  }
0xb7: {  	_ =	task.clear_ibuf [dreg:s7], $0x5FFFF;
	_ =	strace $0x90000046  }
0xb8: {  	s29 =	simm.s32 $0x9;
	_ =	strace $0x80000048  }
0xb9: {  	_ =	swait.ge [sflag:s29], $0x1  }
0xba: {  	[sflag:s29] =	ssyncadd.s32 $0xFFFFFFFF  }
0xbb: {  	_ =	strace $0x90000048  }
0xbc: {  	_ =	sfence  }
0xbd: {  	s30 =	sld [smem:$0x0];
	_ =	sdelay $0x2  }
0xbe: {  	s31 =	sshll.u32 s1, $0xD;
	s1 =	sshrl.u32 s1, $0x2  }
0xbf: {  	s3 =	sand.u32 $0x4000, s31;
	s1 =	sadd.s32 s1, s30  }
0xc0: {  	s0 =	sor.u32 s3, s0;
	s1 =	sshll.u32 s1, $0x11  }
0xc1: {  	s0 =	sor.u32 s1, s0  }
0xc2: {  	s0 =	sadd.s32 $0x8F2B, s0  }
0xc3: {  	[sflag:s0] =	ssyncadd.remote.s32 $0x1  }
0xc4: {  	_ =	sfence.sel $0xFFFF  }
0xc5: {  	[dreg:$0x0] =	wrdreg $0xFFFFFFFF;
	(pc) =	sbr.abs _section_cstart, $3  }
0xc6: {  	[dreg:$0x1] =	wrdreg $0xFFFFFFFF  }
0xc7: {  	_ =	task.clear_ibuf [dreg:s7], $0x2FFFF;
	_ =	strace $0x9FFFFFFF  }
0xc8: {  	(tm) =	ssettm $0x7FFFFFFF  }
0xc9: {  	_ =	shalt  }
tec
execute0_lowered:
.L_overlay_start_1:
0x0: {  	(tag) =	ssettag $0x1  }
0x1: {  	s2 =	rddreg [dreg:$0x0];
	s0 =	srdreg.scid  }
0x2: {  	s13 =	stileid.u32;
	s1 =	rddreg [dreg:$0x1];
	s3 =	simm.s32 $0x0  }
0x3: {  	s16 =	simm.s32 $0x8;
	s17 =	simm.s32 $0xEB80;
	s19 =	simm.s32 $0xF380  }
0x4: {  	s18 =	simm.s32 $0x4;
	s15 =	simm.s32 $0x6;
	s28 =	simm.s32 $0x16B80  }
0x5: {  	s31 =	simm.s32 $0x17380;
	s30 =	simm.s32 $0x18380;
	s0 =	sand.u32 $0x1, s0  }
0x6: {  	s4 =	sshll.u32 s13, $0x1;
	[smem:$0x7FF] =	sst s3;
	s13 =	smul.u32 $0x64000, s13  }
0x7: {  	s6 =	sor.u32 s0, s4;
	s8 =	ssub.s32 $0x2, s0;
	s0 =	smul.u32 $0x32000, s0  }
0x8: {  	s5 =	sadd.s32 $0x22800, s1;
	s11 =	sadd.s32 $0x22C00, s1;
	s7 =	smul.u32 $0x640, s6  }
0x9: {  	_ =	strace $0x80000047;
	s4 =	sadd.s32 $0xA00, s1;
	s21 =	smul.u32 $0x190000, s6  }
0xa: {  	s9 =	sshll.u32 s6, $0x1;
	s10 =	sshrl.u32 s8, $0x1;
	s6 =	smul.u32 $0x32000, s6  }
0xb: {  	s25 =	sadd.s32 s13, s11;
	s13 =	simm.s32 $0x9380;
	s12 =	ssub.s32 s8, s10  }
0xc: {  	s8 =	sadd.s32 $0x100, s2;
	s10 =	sadd.s32 $0x300, s2;
	s0 =	sadd.s32 s0, s25  }
0xd: {  	s7 =	sshrl.u32 s7, $0x3;
	s14 =	sadd.s32 s11, s6;
	[dreg:$0x3] =	wrdreg s0  }
0xe: {  	s29 =	smax.u32 s12, $0x1;
	s0 =	simm.s32 $0x1380;
	[dreg:$0x6] =	wrdreg s14  }
0xf: {  	s7 =	sadd.s32 s7, s1;
	s23 =	sadd.s32 $0x1000, s14;
	[dreg:$0xc] =	wrdreg s29  }
0x10: {  	s1 =	sadd.s32 s9, s1;
	s20 =	sadd.s32 $0x1F400, s7;
	[dreg:$0x7] =	wrdreg s23  }
0x11: {  	s9 =	sadd.s32 $0x200, s2;
	s7 =	sadd.s32 $0x20E00, s7;
	[dreg:$0x4] =	wrdreg s20  }
0x12: {  	s14 =	simm.s32 $0x2;
	s1 =	sadd.s32 $0x22A00, s1;
	[dreg:$0x5] =	wrdreg s7  }
0x13: {  	s23 =	simm.s32 $0x7;
	s7 =	sshrl.u32 s21, $0x3;
	[dreg:$0xb] =	wrdreg s1  }
0x14: {  	s20 =	simm.s32 $0x50;
	s1 =	simm.s32 $0x1;
	s22 =	sadd.s32 s11, s7  }
0x15: {  	s21 =	simm.s32 $0x0;
	s11 =	simm.s32 $0x11380;
	s24 =	sadd.s32 $0x2000, s22  }
0x16: {  	v2 =	vlaneseq.u32;
	s7 =	simm.s32 $0x3;
	s26 =	sadd.s32 $0x30000, s22;
	[dreg:$0x8] =	wrdreg s24  }
0x17: {  	vm0 =	vmmov $0xffff;
	v1 =	vshrl.u32 v2, $0x3;
	s6 =	sadd.s32 $0x31000, s22;
	s22 =	simm.s32 $0x5;
	[dreg:$0x9] =	wrdreg s26  }
0x18: {  	v0 =	vand.u32 $0x7, v2;
	v2 =	vor.u32 $0x8, v2;
	v1 =	vmul.u32 $0x8, v1;
	[dreg:$0xa] =	wrdreg s6;
	s6 =	simm.s32 $0x10380;
	s26 =	simm.s32 $0x16380  }
.LBB2_1:
0x19: {  	s12 =	rddreg [dreg:$0x4]  }
0x1a: {  	[tilespmem:s3], [sflag:$0x8] =	stream.linear.gather [hbm4b:s12+s3], $0x640, $0x38;
	[tilespmem:$0x1A100] =	vst v63  }
0x1b: {  	_ =	swait.ge [sflag:s16], $0x640  }
0x1c: {  	[sflag:s16] =	ssyncset.done $0x0  }
0x1d: {  	s24 =	simm.s32 $0x680;
	s29 =	rddreg [dreg:$0x5];
	[sflag:s16] =	ssyncadd.s32 $0xFFFFF9C0  }
0x1e: {  	[tilespmem:s24], [sflag:$0x8] =	stream.linear.gather [hbm4b:s29+s3], $0x640, $0x38;
	[tilespmem:$0x1A100] =	vst v63  }
0x1f: {  	_ =	swait.ge [sflag:s16], $0x640  }
0x20: {  	[sflag:s16] =	ssyncset.done $0x0  }
0x21: {  	s12 =	simm.s32 $0x0;
	[sflag:s16] =	ssyncadd.s32 $0xFFFFF9C0  }
0x22: {  	v3 =	vld [tilespmem:s12+$0x0]  }
0x23: {  	s16 =	simm.s32 $0x40;
	v4 =	vld [tilespmem:s12+$0x680]  }
.LBB2_2:
0x24: {  	_ = 	snop  }
0x25: {  	p0 =	sne.s32 s16, $0x18C0  }
.Ltmp0:
0x26: {  	_ = 	snop;
	(pc) =	sbr.rel @p0 .LBB2_2-.Ltmp0, $4  }
0x27: {  	v5 =	vmul.u32 $0x3E8, v3  }
0x28: {  	s24 =	sshra.s32 s16, $0x2  }
0x29: {  	v3 =	vld [tilespmem:s24+$0x0];
	v5 =	vadd.s32 v4, v5  }
0x2a: {  	s16 =	sadd.s32 $0x40, s16;
	v4 =	vld [tilespmem:s24+$0x680];
	[tilespmem:s12+$0xD00] =	vst v5;
	s12 =	smov.u32 s24  }
0x2b: {  	_ =	sdelay $0x2  }
0x2c: {  	v3 =	vmul.u32 $0x3E8, v3;
	_ =	sdelay $0x1  }
0x2d: {  	v3 =	vadd.s32 v4, v3  }
0x2e: {  	[dreg:$0xd] =	wrdreg s21;
	s29 =	simm.s32 $0x19380;
	s16 =	simm.s32 $0xD00;
	[tilespmem:s12+$0xD00] =	vst v3  }
0x2f: {  	[tilespmem:s29], [sflag:$0x7] =	stream.indirect.gather [hbm4b:s4+s20], $0x1, s16, s20, $0xb8;
	[tilespmem:$0x1A100] =	vst v63  }
0x30: {  	s24 =	simm.s32 $0x19A00;
	s12 =	simm.s32 $0x140;
	s16 =	simm.s32 $0x0  }
.LBB2_4:
0x31: {  	[tilespmem:s24], [sflag:$0x7] =	stream.indirect.gather [hbm4b:s5+s20], $0x1, s16, s20, $0xb8;
	[tilespmem:$0x1A100] =	vst v63  }
0x32: {  	s16 =	smov.u32 s12;
	p0 =	sne.s32 s12, $0x17C0  }
.Ltmp1:
0x33: {  	s12 =	sadd.s32 $0x140, s12;
	(pc) =	sbr.rel @p0 .LBB2_4-.Ltmp1, $4  }
0x34: {  	s16 =	sshra.s32 s16, $0x2  }
0x35: {  	s24 =	sadd.s32 $0x19380, s16;
	s25 =	sadd.s32 $0xD00, s16  }
0x36: {  	[tilespmem:s24], [sflag:$0x7] =	stream.indirect.gather [hbm4b:s4+s20], $0x1, s25, s20, $0xb8;
	[tilespmem:$0x1A100] =	vst v63  }
0x37: {  	s24 =	sadd.s32 $0x19A00, s16  }
0x38: {  	[tilespmem:s24], [sflag:$0x7] =	stream.indirect.gather [hbm4b:s5+s20], $0x1, s16, s20, $0xb8;
	[tilespmem:$0x1A100] =	vst v63  }
0x39: {  	v3 =	vld [tilespmem:$0x0];
	_ =	sdelay $0x4  }
0x3a: {  	v4 =	vshll.u32 v3, $0x3  }
0x3b: {  	v3 =	vand.u32 $0x7, v3;
	v4 =	vand.u32 $0xFFFFFFC0, v4  }
0x3c: {  	v3 =	vor.u32 v3, v4  }
0x3d: {  	v4 =	vperm.xlane v3, v0;
	_ =	sdelay $0x1  }
0x3e: {  	v4 =	vadd.s32 v1, v4;
	_ =	sdelay $0x3  }
0x3f: {  	s12 =	simm.s32 $0x0  }
0x40: {  	[tilespmem:s0], [sflag:$0x1] =	stream.indirect_vreg.gather [hbm4b:s2+s12], $0x80, v4, vm0, $0xb8;
	[tilespmem:$0x1A100] =	vst v63  }
0x41: {  	s24 =	simm.s32 $0x1B80;
	v3 =	vperm.xlane v3, v2  }
0x42: {  	[tilespmem:s24], [sflag:$0x1] =	stream.indirect_vreg.gather [hbm4b:s8+s12], $0x80, v4, vm0, $0xb8;
	[tilespmem:$0x1A100] =	vst v63  }
0x43: {  	s25 =	simm.s32 $0x2380;
	v3 =	vadd.s32 v1, v3  }
0x44: {  	[tilespmem:s25], [sflag:$0x1] =	stream.indirect_vreg.gather [hbm4b:s9+s12], $0x80, v4, vm0, $0xb8;
	[tilespmem:$0x1A100] =	vst v63  }
0x45: {  	s21 =	simm.s32 $0x2B80  }
0x46: {  	[tilespmem:s21], [sflag:$0x1] =	stream.indirect_vreg.gather [hbm4b:s10+s12], $0x80, v4, vm0, $0xb8;
	[tilespmem:$0x1A100] =	vst v63  }
0x47: {  	s21 =	simm.s32 $0x3380  }
0x48: {  	[tilespmem:s21], [sflag:$0x1] =	stream.indirect_vreg.gather [hbm4b:s2+s12], $0x80, v3, vm0, $0xb8;
	[tilespmem:$0x1A100] =	vst v63  }
0x49: {  	s21 =	simm.s32 $0x3B80  }
0x4a: {  	[tilespmem:s21], [sflag:$0x1] =	stream.indirect_vreg.gather [hbm4b:s8+s12], $0x80, v3, vm0, $0xb8;
	[tilespmem:$0x1A100] =	vst v63  }
0x4b: {  	s21 =	simm.s32 $0x4380  }
0x4c: {  	[tilespmem:s21], [sflag:$0x1] =	stream.indirect_vreg.gather [hbm4b:s9+s12], $0x80, v3, vm0, $0xb8;
	[tilespmem:$0x1A100] =	vst v63  }
0x4d: {  	s21 =	simm.s32 $0x4B80  }
0x4e: {  	[tilespmem:s21], [sflag:$0x1] =	stream.indirect_vreg.gather [hbm4b:s10+s12], $0x80, v3, vm0, $0xb8;
	[tilespmem:$0x1A100] =	vst v63  }
0x4f: {  	v3 =	vld [tilespmem:$0x10];
	_ =	sdelay $0x4  }
0x50: {  	v55 =	vshll.u32 v3, $0x3  }
0x51: {  	v3 =	vand.u32 $0x7, v3;
	v4 =	vand.u32 $0xFFFFFFC0, v55  }
0x52: {  	v3 =	vor.u32 v3, v4  }
0x53: {  	v4 =	vperm.xlane v3, v0;
	_ =	sdelay $0x1  }
0x54: {  	v4 =	vadd.s32 v1, v4;
	_ =	sdelay $0x3  }
0x55: {  	s21 =	simm.s32 $0x5380  }
0x56: {  	[tilespmem:s21], [sflag:$0x1] =	stream.indirect_vreg.gather [hbm4b:s2+s12], $0x80, v4, vm0, $0xb8;
	[tilespmem:$0x1A100] =	vst v63  }
0x57: {  	v3 =	vperm.xlane v3, v2;
	s21 =	simm.s32 $0x5B80  }
0x58: {  	[tilespmem:s21], [sflag:$0x1] =	stream.indirect_vreg.gather [hbm4b:s8+s12], $0x80, v4, vm0, $0xb8;
	[tilespmem:$0x1A100] =	vst v63  }
0x59: {  	v3 =	vadd.s32 v1, v3;
	s21 =	simm.s32 $0x6380  }
0x5a: {  	[tilespmem:s21], [sflag:$0x1] =	stream.indirect_vreg.gather [hbm4b:s9+s12], $0x80, v4, vm0, $0xb8;
	[tilespmem:$0x1A100] =	vst v63  }
0x5b: {  	s21 =	simm.s32 $0x6B80  }
0x5c: {  	[tilespmem:s21], [sflag:$0x1] =	stream.indirect_vreg.gather [hbm4b:s10+s12], $0x80, v4, vm0, $0xb8;
	[tilespmem:$0x1A100] =	vst v63  }
0x5d: {  	s21 =	simm.s32 $0x7380  }
0x5e: {  	[tilespmem:s21], [sflag:$0x1] =	stream.indirect_vreg.gather [hbm4b:s2+s12], $0x80, v3, vm0, $0xb8;
	[tilespmem:$0x1A100] =	vst v63  }
0x5f: {  	s21 =	simm.s32 $0x7B80  }
0x60: {  	[tilespmem:s21], [sflag:$0x1] =	stream.indirect_vreg.gather [hbm4b:s8+s12], $0x80, v3, vm0, $0xb8;
	[tilespmem:$0x1A100] =	vst v63  }
0x61: {  	s21 =	simm.s32 $0x8380  }
0x62: {  	[tilespmem:s21], [sflag:$0x1] =	stream.indirect_vreg.gather [hbm4b:s9+s12], $0x80, v3, vm0, $0xb8;
	[tilespmem:$0x1A100] =	vst v63  }
0x63: {  	s21 =	simm.s32 $0x8B80  }
0x64: {  	[tilespmem:s21], [sflag:$0x1] =	stream.indirect_vreg.gather [hbm4b:s10+s12], $0x80, v3, vm0, $0xb8;
	[tilespmem:$0x1A100] =	vst v63  }
0x65: {  	v3 =	vld [tilespmem:$0x20];
	_ =	sdelay $0x4  }
0x66: {  	v56 =	vshll.u32 v3, $0x3  }
0x67: {  	v3 =	vand.u32 $0x7, v3;
	v4 =	vand.u32 $0xFFFFFFC0, v56  }
0x68: {  	v3 =	vor.u32 v3, v4  }
0x69: {  	v4 =	vperm.xlane v3, v0;
	_ =	sdelay $0x1  }
0x6a: {  	v4 =	vadd.s32 v1, v4;
	_ =	sdelay $0x4  }
0x6b: {  	[tilespmem:s13], [sflag:$0x2] =	stream.indirect_vreg.gather [hbm4b:s2+s12], $0x80, v4, vm0, $0xb8;
	[tilespmem:$0x1A100] =	vst v63  }
0x6c: {  	s21 =	simm.s32 $0x9B80;
	v3 =	vperm.xlane v3, v2  }
0x6d: {  	[tilespmem:s21], [sflag:$0x2] =	stream.indirect_vreg.gather [hbm4b:s8+s12], $0x80, v4, vm0, $0xb8;
	[tilespmem:$0x1A100] =	vst v63  }
0x6e: {  	v3 =	vadd.s32 v1, v3;
	s13 =	simm.s32 $0xA380  }
0x6f: {  	[tilespmem:s13], [sflag:$0x2] =	stream.indirect_vreg.gather [hbm4b:s9+s12], $0x80, v4, vm0, $0xb8;
	[tilespmem:$0x1A100] =	vst v63  }
0x70: {  	s21 =	simm.s32 $0xAB80  }
0x71: {  	[tilespmem:s21], [sflag:$0x2] =	stream.indirect_vreg.gather [hbm4b:s10+s12], $0x80, v4, vm0, $0xb8;
	[tilespmem:$0x1A100] =	vst v63  }
0x72: {  	s13 =	simm.s32 $0xB380  }
0x73: {  	[tilespmem:s13], [sflag:$0x2] =	stream.indirect_vreg.gather [hbm4b:s2+s12], $0x80, v3, vm0, $0xb8;
	[tilespmem:$0x1A100] =	vst v63  }
0x74: {  	s21 =	simm.s32 $0xBB80  }
0x75: {  	[tilespmem:s21], [sflag:$0x2] =	stream.indirect_vreg.gather [hbm4b:s8+s12], $0x80, v3, vm0, $0xb8;
	[tilespmem:$0x1A100] =	vst v63  }
0x76: {  	s13 =	simm.s32 $0xC380  }
0x77: {  	[tilespmem:s13], [sflag:$0x2] =	stream.indirect_vreg.gather [hbm4b:s9+s12], $0x80, v3, vm0, $0xb8;
	[tilespmem:$0x1A100] =	vst v63  }
0x78: {  	s21 =	simm.s32 $0xCB80  }
0x79: {  	[tilespmem:s21], [sflag:$0x2] =	stream.indirect_vreg.gather [hbm4b:s10+s12], $0x80, v3, vm0, $0xb8;
	[tilespmem:$0x1A100] =	vst v63  }
0x7a: {  	v3 =	vld [tilespmem:$0x30];
	_ =	sdelay $0x4  }
0x7b: {  	v57 =	vshll.u32 v3, $0x3  }
0x7c: {  	v3 =	vand.u32 $0x7, v3;
	v4 =	vand.u32 $0xFFFFFFC0, v57  }
0x7d: {  	v3 =	vor.u32 v3, v4  }
0x7e: {  	v4 =	vperm.xlane v3, v0;
	_ =	sdelay $0x1  }
0x7f: {  	v4 =	vadd.s32 v1, v4;
	_ =	sdelay $0x3  }
0x80: {  	s13 =	simm.s32 $0xD380  }
0x81: {  	[tilespmem:s13], [sflag:$0x2] =	stream.indirect_vreg.gather [hbm4b:s2+s12], $0x80, v4, vm0, $0xb8;
	[tilespmem:$0x1A100] =	vst v63  }
0x82: {  	s21 =	simm.s32 $0xDB80;
	v3 =	vperm.xlane v3, v2  }
0x83: {  	[tilespmem:s21], [sflag:$0x2] =	stream.indirect_vreg.gather [hbm4b:s8+s12], $0x80, v4, vm0, $0xb8;
	[tilespmem:$0x1A100] =	vst v63  }
0x84: {  	v3 =	vadd.s32 v1, v3;
	s13 =	simm.s32 $0xE380  }
0x85: {  	[tilespmem:s13], [sflag:$0x2] =	stream.indirect_vreg.gather [hbm4b:s9+s12], $0x80, v4, vm0, $0xb8;
	[tilespmem:$0x1A100] =	vst v63  }
0x86: {  	_ = 	snop  }
0x87: {  	[tilespmem:s17], [sflag:$0x2] =	stream.indirect_vreg.gather [hbm4b:s10+s12], $0x80, v4, vm0, $0xb8;
	[tilespmem:$0x1A100] =	vst v63  }
0x88: {  	_ = 	snop  }
0x89: {  	[tilespmem:s19], [sflag:$0x2] =	stream.indirect_vreg.gather [hbm4b:s2+s12], $0x80, v3, vm0, $0xb8;
	[tilespmem:$0x1A100] =	vst v63  }
0x8a: {  	s19 =	simm.s32 $0xFB80  }
0x8b: {  	[tilespmem:s19], [sflag:$0x2] =	stream.indirect_vreg.gather [hbm4b:s8+s12], $0x80, v3, vm0, $0xb8;
	[tilespmem:$0x1A100] =	vst v63  }
0x8c: {  	_ = 	snop  }
0x8d: {  	[tilespmem:s6], [sflag:$0x2] =	stream.indirect_vreg.gather [hbm4b:s9+s12], $0x80, v3, vm0, $0xb8;
	[tilespmem:$0x1A100] =	vst v63  }
0x8e: {  	s21 =	simm.s32 $0x10B80  }
0x8f: {  	[tilespmem:s21], [sflag:$0x2] =	stream.indirect_vreg.gather [hbm4b:s10+s12], $0x80, v3, vm0, $0xb8;
	[tilespmem:$0x1A100] =	vst v63  }
0x90: {  	_ =	swait.ge [sflag:s1], $0x8000  }
0x91: {  	[sflag:s1] =	ssyncset.done $0x0  }
0x92: {  	s13 =	rddreg [dreg:$0x6];
	[sflag:s1] =	ssyncadd.s32 $0xFFFF8000  }
0x93: {  	[hbm4b:s13+s12] =	stream.linear.scatter [tilespmem:s0], [sflag:$0x4], $0x8000, $0x38;
	[tilespmem:$0x1A100] =	vst v63  }
0x94: {  	v3 =	vld [tilespmem:$0x40];
	_ =	sdelay $0x4  }
0x95: {  	v58 =	vshll.u32 v3, $0x3  }
0x96: {  	v3 =	vand.u32 $0x7, v3;
	v4 =	vand.u32 $0xFFFFFFC0, v58  }
0x97: {  	v3 =	vor.u32 v3, v4  }
0x98: {  	v4 =	vperm.xlane v3, v0;
	_ =	sdelay $0x1  }
0x99: {  	v4 =	vadd.s32 v1, v4;
	_ =	sdelay $0x4  }
0x9a: {  	[tilespmem:s11], [sflag:$0x3] =	stream.indirect_vreg.gather [hbm4b:s2+s12], $0x80, v4, vm0, $0xb8;
	[tilespmem:$0x1A100] =	vst v63  }
0x9b: {  	s17 =	simm.s32 $0x11B80;
	v3 =	vperm.xlane v3, v2  }
0x9c: {  	[tilespmem:s17], [sflag:$0x3] =	stream.indirect_vreg.gather [hbm4b:s8+s12], $0x80, v4, vm0, $0xb8;
	[tilespmem:$0x1A100] =	vst v63  }
0x9d: {  	s21 =	simm.s32 $0x12380;
	v3 =	vadd.s32 v1, v3  }
0x9e: {  	[tilespmem:s21], [sflag:$0x3] =	stream.indirect_vreg.gather [hbm4b:s9+s12], $0x80, v4, vm0, $0xb8;
	[tilespmem:$0x1A100] =	vst v63  }
0x9f: {  	s6 =	simm.s32 $0x12B80  }
0xa0: {  	[tilespmem:s6], [sflag:$0x3] =	stream.indirect_vreg.gather [hbm4b:s10+s12], $0x80, v4, vm0, $0xb8;
	[tilespmem:$0x1A100] =	vst v63  }
0xa1: {  	s11 =	simm.s32 $0x13380  }
0xa2: {  	[tilespmem:s11], [sflag:$0x3] =	stream.indirect_vreg.gather [hbm4b:s2+s12], $0x80, v3, vm0, $0xb8;
	[tilespmem:$0x1A100] =	vst v63  }
0xa3: {  	s13 =	simm.s32 $0x13B80  }
0xa4: {  	[tilespmem:s13], [sflag:$0x3] =	stream.indirect_vreg.gather [hbm4b:s8+s12], $0x80, v3, vm0, $0xb8;
	[tilespmem:$0x1A100] =	vst v63  }
0xa5: {  	s16 =	simm.s32 $0x14380  }
0xa6: {  	[tilespmem:s16], [sflag:$0x3] =	stream.indirect_vreg.gather [hbm4b:s9+s12], $0x80, v3, vm0, $0xb8;
	[tilespmem:$0x1A100] =	vst v63  }
0xa7: {  	s21 =	simm.s32 $0x14B80  }
0xa8: {  	[tilespmem:s21], [sflag:$0x3] =	stream.indirect_vreg.gather [hbm4b:s10+s12], $0x80, v3, vm0, $0xb8;
	[tilespmem:$0x1A100] =	vst v63  }
0xa9: {  	v3 =	vld [tilespmem:$0x50];
	_ =	sdelay $0x4  }
0xaa: {  	v59 =	vshll.u32 v3, $0x3  }
0xab: {  	v3 =	vand.u32 $0x7, v3;
	v4 =	vand.u32 $0xFFFFFFC0, v59  }
0xac: {  	v3 =	vor.u32 v3, v4  }
0xad: {  	v4 =	vperm.xlane v3, v0;
	_ =	sdelay $0x1  }
0xae: {  	v4 =	vadd.s32 v1, v4;
	_ =	sdelay $0x3  }
0xaf: {  	s11 =	simm.s32 $0x15380  }
0xb0: {  	[tilespmem:s11], [sflag:$0x3] =	stream.indirect_vreg.gather [hbm4b:s2+s12], $0x80, v4, vm0, $0xb8;
	[tilespmem:$0x1A100] =	vst v63  }
0xb1: {  	s16 =	simm.s32 $0x15B80;
	v3 =	vperm.xlane v3, v2  }
0xb2: {  	[tilespmem:s16], [sflag:$0x3] =	stream.indirect_vreg.gather [hbm4b:s8+s12], $0x80, v4, vm0, $0xb8;
	[tilespmem:$0x1A100] =	vst v63  }
0xb3: {  	v3 =	vadd.s32 v1, v3  }
0xb4: {  	[tilespmem:s26], [sflag:$0x3] =	stream.indirect_vreg.gather [hbm4b:s9+s12], $0x80, v4, vm0, $0xb8;
	[tilespmem:$0x1A100] =	vst v63  }
0xb5: {  	_ = 	snop  }
0xb6: {  	[tilespmem:s28], [sflag:$0x3] =	stream.indirect_vreg.gather [hbm4b:s10+s12], $0x80, v4, vm0, $0xb8;
	[tilespmem:$0x1A100] =	vst v63  }
0xb7: {  	_ = 	snop  }
0xb8: {  	[tilespmem:s31], [sflag:$0x3] =	stream.indirect_vreg.gather [hbm4b:s2+s12], $0x80, v3, vm0, $0xb8;
	[tilespmem:$0x1A100] =	vst v63  }
0xb9: {  	s6 =	simm.s32 $0x17B80  }
0xba: {  	[tilespmem:s6], [sflag:$0x3] =	stream.indirect_vreg.gather [hbm4b:s8+s12], $0x80, v3, vm0, $0xb8;
	[tilespmem:$0x1A100] =	vst v63  }
0xbb: {  	_ = 	snop  }
0xbc: {  	[tilespmem:s30], [sflag:$0x3] =	stream.indirect_vreg.gather [hbm4b:s9+s12], $0x80, v3, vm0, $0xb8;
	[tilespmem:$0x1A100] =	vst v63  }
0xbd: {  	s11 =	simm.s32 $0x18B80  }
0xbe: {  	[tilespmem:s11], [sflag:$0x3] =	stream.indirect_vreg.gather [hbm4b:s10+s12], $0x80, v3, vm0, $0xb8;
	[tilespmem:$0x1A100] =	vst v63  }
0xbf: {  	_ =	swait.ge [sflag:s14], $0x8000  }
0xc0: {  	[sflag:s14] =	ssyncset.done $0x0  }
0xc1: {  	s17 =	simm.s32 $0x9380;
	s21 =	rddreg [dreg:$0x7];
	[sflag:s14] =	ssyncadd.s32 $0xFFFF8000  }
0xc2: {  	[hbm4b:s21+s12] =	stream.linear.scatter [tilespmem:s17], [sflag:$0x5], $0x8000, $0x38;
	[tilespmem:$0x1A100] =	vst v63  }
0xc3: {  	_ =	swait.ge [sflag:s18], $0x8000  }
0xc4: {  	[sflag:s18] =	ssyncset.done $0x0  }
0xc5: {  	[sflag:s18] =	ssyncadd.s32 $0xFFFF8000  }
0xc6: {  	v3 =	vld [tilespmem:$0x60];
	_ =	sdelay $0x4  }
0xc7: {  	v60 =	vshll.u32 v3, $0x3  }
0xc8: {  	v3 =	vand.u32 $0x7, v3;
	v4 =	vand.u32 $0xFFFFFFC0, v60  }
0xc9: {  	v3 =	vor.u32 v3, v4  }
0xca: {  	v4 =	vperm.xlane v3, v0;
	_ =	sdelay $0x1  }
0xcb: {  	v4 =	vadd.s32 v1, v4;
	_ =	sdelay $0x3  }
0xcc: {  	s0 =	simm.s32 $0x1380  }
0xcd: {  	[tilespmem:s0], [sflag:$0x1] =	stream.indirect_vreg.gather [hbm4b:s2+s12], $0x80, v4, vm0, $0xb8;
	[tilespmem:$0x1A100] =	vst v63  }
0xce: {  	v3 =	vperm.xlane v3, v2  }
0xcf: {  	[tilespmem:s24], [sflag:$0x1] =	stream.indirect_vreg.gather [hbm4b:s8+s12], $0x80, v4, vm0, $0xb8;
	[tilespmem:$0x1A100] =	vst v63  }
0xd0: {  	v3 =	vadd.s32 v1, v3  }
0xd1: {  	[tilespmem:s25], [sflag:$0x1] =	stream.indirect_vreg.gather [hbm4b:s9+s12], $0x80, v4, vm0, $0xb8;
	[tilespmem:$0x1A100] =	vst v63  }
0xd2: {  	s21 =	simm.s32 $0x2B80  }
0xd3: {  	[tilespmem:s21], [sflag:$0x1] =	stream.indirect_vreg.gather [hbm4b:s10+s12], $0x80, v4, vm0, $0xb8;
	[tilespmem:$0x1A100] =	vst v63  }
0xd4: {  	s24 =	simm.s32 $0x3380  }
0xd5: {  	[tilespmem:s24], [sflag:$0x1] =	stream.indirect_vreg.gather [hbm4b:s2+s12], $0x80, v3, vm0, $0xb8;
	[tilespmem:$0x1A100] =	vst v63  }
0xd6: {  	s25 =	simm.s32 $0x3B80  }
0xd7: {  	[tilespmem:s25], [sflag:$0x1] =	stream.indirect_vreg.gather [hbm4b:s8+s12], $0x80, v3, vm0, $0xb8;
	[tilespmem:$0x1A100] =	vst v63  }
0xd8: {  	s21 =	simm.s32 $0x4380  }
0xd9: {  	[tilespmem:s21], [sflag:$0x1] =	stream.indirect_vreg.gather [hbm4b:s9+s12], $0x80, v3, vm0, $0xb8;
	[tilespmem:$0x1A100] =	vst v63  }
0xda: {  	s24 =	simm.s32 $0x4B80  }
0xdb: {  	[tilespmem:s24], [sflag:$0x1] =	stream.indirect_vreg.gather [hbm4b:s10+s12], $0x80, v3, vm0, $0xb8;
	[tilespmem:$0x1A100] =	vst v63  }
0xdc: {  	v3 =	vld [tilespmem:$0x70];
	_ =	sdelay $0x4  }
0xdd: {  	v61 =	vshll.u32 v3, $0x3  }
0xde: {  	v3 =	vand.u32 $0x7, v3;
	v4 =	vand.u32 $0xFFFFFFC0, v61  }
0xdf: {  	v3 =	vor.u32 v3, v4  }
0xe0: {  	v4 =	vperm.xlane v3, v0;
	_ =	sdelay $0x1  }
0xe1: {  	v4 =	vadd.s32 v1, v4;
	_ =	sdelay $0x3  }
0xe2: {  	s25 =	simm.s32 $0x5380  }
0xe3: {  	[tilespmem:s25], [sflag:$0x1] =	stream.indirect_vreg.gather [hbm4b:s2+s12], $0x80, v4, vm0, $0xb8;
	[tilespmem:$0x1A100] =	vst v63  }
0xe4: {  	s21 =	simm.s32 $0x5B80;
	v3 =	vperm.xlane v3, v2  }
0xe5: {  	[tilespmem:s21], [sflag:$0x1] =	stream.indirect_vreg.gather [hbm4b:s8+s12], $0x80, v4, vm0, $0xb8;
	[tilespmem:$0x1A100] =	vst v63  }
0xe6: {  	s24 =	simm.s32 $0x6380;
	v3 =	vadd.s32 v1, v3  }
0xe7: {  	[tilespmem:s24], [sflag:$0x1] =	stream.indirect_vreg.gather [hbm4b:s9+s12], $0x80, v4, vm0, $0xb8;
	[tilespmem:$0x1A100] =	vst v63  }
0xe8: {  	s25 =	simm.s32 $0x6B80  }
0xe9: {  	[tilespmem:s25], [sflag:$0x1] =	stream.indirect_vreg.gather [hbm4b:s10+s12], $0x80, v4, vm0, $0xb8;
	[tilespmem:$0x1A100] =	vst v63  }
0xea: {  	s21 =	simm.s32 $0x7380  }
0xeb: {  	[tilespmem:s21], [sflag:$0x1] =	stream.indirect_vreg.gather [hbm4b:s2+s12], $0x80, v3, vm0, $0xb8;
	[tilespmem:$0x1A100] =	vst v63  }
0xec: {  	s24 =	simm.s32 $0x7B80  }
0xed: {  	[tilespmem:s24], [sflag:$0x1] =	stream.indirect_vreg.gather [hbm4b:s8+s12], $0x80, v3, vm0, $0xb8;
	[tilespmem:$0x1A100] =	vst v63  }
0xee: {  	s25 =	simm.s32 $0x8380  }
0xef: {  	[tilespmem:s25], [sflag:$0x1] =	stream.indirect_vreg.gather [hbm4b:s9+s12], $0x80, v3, vm0, $0xb8;
	[tilespmem:$0x1A100] =	vst v63  }
0xf0: {  	s21 =	simm.s32 $0x8B80  }
0xf1: {  	[tilespmem:s21], [sflag:$0x1] =	stream.indirect_vreg.gather [hbm4b:s10+s12], $0x80, v3, vm0, $0xb8;
	[tilespmem:$0x1A100] =	vst v63  }
0xf2: {  	_ =	swait.ge [sflag:s7], $0x8000  }
0xf3: {  	[sflag:s7] =	ssyncset.done $0x0  }
0xf4: {  	s13 =	simm.s32 $0x11380;
	s21 =	rddreg [dreg:$0x8];
	[sflag:s7] =	ssyncadd.s32 $0xFFFF8000  }
0xf5: {  	[hbm4b:s21+s12] =	stream.linear.scatter [tilespmem:s13], [sflag:$0x6], $0x8000, $0x38;
	[tilespmem:$0x1A100] =	vst v63  }
0xf6: {  	_ =	swait.ge [sflag:s22], $0x8000  }
0xf7: {  	[sflag:s22] =	ssyncset.done $0x0  }
0xf8: {  	[sflag:s22] =	ssyncadd.s32 $0xFFFF8000  }
0xf9: {  	v3 =	vld [tilespmem:$0x80];
	_ =	sdelay $0x4  }
0xfa: {  	v62 =	vshll.u32 v3, $0x3  }
0xfb: {  	v3 =	vand.u32 $0x7, v3;
	v4 =	vand.u32 $0xFFFFFFC0, v62  }
0xfc: {  	v3 =	vor.u32 v3, v4  }
0xfd: {  	v4 =	vperm.xlane v3, v0;
	_ =	sdelay $0x1  }
0xfe: {  	v4 =	vadd.s32 v1, v4;
	_ =	sdelay $0x4  }
0xff: {  	[tilespmem:s17], [sflag:$0x2] =	stream.indirect_vreg.gather [hbm4b:s2+s12], $0x80, v4, vm0, $0xb8;
	[tilespmem:$0x1A100] =	vst v63  }
0x100: {  	s24 =	simm.s32 $0x9B80;
	v3 =	vperm.xlane v3, v2  }
0x101: {  	[tilespmem:s24], [sflag:$0x2] =	stream.indirect_vreg.gather [hbm4b:s8+s12], $0x80, v4, vm0, $0xb8;
	[tilespmem:$0x1A100] =	vst v63  }
0x102: {  	s25 =	simm.s32 $0xA380;
	v3 =	vadd.s32 v1, v3  }
0x103: {  	[tilespmem:s25], [sflag:$0x2] =	stream.indirect_vreg.gather [hbm4b:s9+s12], $0x80, v4, vm0, $0xb8;
	[tilespmem:$0x1A100] =	vst v63  }
0x104: {  	s21 =	simm.s32 $0xAB80  }
0x105: {  	[tilespmem:s21], [sflag:$0x2] =	stream.indirect_vreg.gather [hbm4b:s10+s12], $0x80, v4, vm0, $0xb8;
	[tilespmem:$0x1A100] =	vst v63  }
0x106: {  	s24 =	simm.s32 $0xB380  }
0x107: {  	[tilespmem:s24], [sflag:$0x2] =	stream.indirect_vreg.gather [hbm4b:s2+s12], $0x80, v3, vm0, $0xb8;
	[tilespmem:$0x1A100] =	vst v63  }
0x108: {  	s25 =	simm.s32 $0xBB80  }
0x109: {  	[tilespmem:s25], [sflag:$0x2] =	stream.indirect_vreg.gather [hbm4b:s8+s12], $0x80, v3, vm0, $0xb8;
	[tilespmem:$0x1A100] =	vst v63  }
0x10a: {  	s21 =	simm.s32 $0xC380  }
0x10b: {  	[tilespmem:s21], [sflag:$0x2] =	stream.indirect_vreg.gather [hbm4b:s9+s12], $0x80, v3, vm0, $0xb8;
	[tilespmem:$0x1A100] =	vst v63  }
0x10c: {  	s24 =	simm.s32 $0xCB80  }
0x10d: {  	[tilespmem:s24], [sflag:$0x2] =	stream.indirect_vreg.gather [hbm4b:s10+s12], $0x80, v3, vm0, $0xb8;
	[tilespmem:$0x1A100] =	vst v63  }
0x10e: {  	v3 =	vld [tilespmem:$0x90];
	_ =	sdelay $0x4  }
0x10f: {  	v63 =	vshll.u32 v3, $0x3  }
0x110: {  	v3 =	vand.u32 $0x7, v3;
	v4 =	vand.u32 $0xFFFFFFC0, v63  }
0x111: {  	v3 =	vor.u32 v3, v4  }
0x112: {  	v4 =	vperm.xlane v3, v0;
	_ =	sdelay $0x1  }
0x113: {  	v4 =	vadd.s32 v1, v4;
	_ =	sdelay $0x3  }
0x114: {  	s25 =	simm.s32 $0xD380  }
0x115: {  	[tilespmem:s25], [sflag:$0x2] =	stream.indirect_vreg.gather [hbm4b:s2+s12], $0x80, v4, vm0, $0xb8;
	[tilespmem:$0x1A100] =	vst v63  }
0x116: {  	s21 =	simm.s32 $0xDB80;
	v3 =	vperm.xlane v3, v2  }
0x117: {  	[tilespmem:s21], [sflag:$0x2] =	stream.indirect_vreg.gather [hbm4b:s8+s12], $0x80, v4, vm0, $0xb8;
	[tilespmem:$0x1A100] =	vst v63  }
0x118: {  	s24 =	simm.s32 $0xE380;
	v3 =	vadd.s32 v1, v3  }
0x119: {  	[tilespmem:s24], [sflag:$0x2] =	stream.indirect_vreg.gather [hbm4b:s9+s12], $0x80, v4, vm0, $0xb8;
	[tilespmem:$0x1A100] =	vst v63  }
0x11a: {  	s19 =	simm.s32 $0xEB80  }
0x11b: {  	[tilespmem:s19], [sflag:$0x2] =	stream.indirect_vreg.gather [hbm4b:s10+s12], $0x80, v4, vm0, $0xb8;
	[tilespmem:$0x1A100] =	vst v63  }
0x11c: {  	s29 =	simm.s32 $0xF380  }
0x11d: {  	[tilespmem:s29], [sflag:$0x2] =	stream.indirect_vreg.gather [hbm4b:s2+s12], $0x80, v3, vm0, $0xb8;
	[tilespmem:$0x1A100] =	vst v63  }
0x11e: {  	s25 =	simm.s32 $0xFB80  }
0x11f: {  	[tilespmem:s25], [sflag:$0x2] =	stream.indirect_vreg.gather [hbm4b:s8+s12], $0x80, v3, vm0, $0xb8;
	[tilespmem:$0x1A100] =	vst v63  }
0x120: {  	s16 =	simm.s32 $0x10B80;
	s21 =	simm.s32 $0xEB80;
	s25 =	simm.s32 $0x10380  }
0x121: {  	[tilespmem:s25], [sflag:$0x2] =	stream.indirect_vreg.gather [hbm4b:s9+s12], $0x80, v3, vm0, $0xb8;
	[tilespmem:$0x1A100] =	vst v63  }
0x122: {  	s24 =	simm.s32 $0xF0;
	s19 =	simm.s32 $0xF380;
	s29 =	simm.s32 $0x10380  }
0x123: {  	[tilespmem:s16], [sflag:$0x2] =	stream.indirect_vreg.gather [hbm4b:s10+s12], $0x80, v3, vm0, $0xb8;
	[tilespmem:$0x1A100] =	vst v63  }
.LBB2_6:
0x124: {  	_ =	swait.ge [sflag:s1], $0x8000  }
0x125: {  	s16 =	rddreg [dreg:$0x3]  }
0x126: {  	[sflag:s1] =	ssyncset.done $0x0;
	s16 =	sadd.s32 s12, s16  }
0x127: {  	[sflag:s1] =	ssyncadd.s32 $0xFFFF8000;
	s25 =	sadd.s32 $0x3000, s16  }
0x128: {  	[hbm4b:s25+s3] =	stream.linear.scatter [tilespmem:s0], [sflag:$0x4], $0x8000, $0x38;
	[tilespmem:$0x1A100] =	vst v63  }
0x129: {  	_ =	swait.ge [sflag:s15], $0x8000  }
0x12a: {  	[sflag:s15] =	ssyncset.done $0x0  }
0x12b: {  	[sflag:s15] =	ssyncadd.s32 $0xFFFF8000  }
0x12c: {  	v3 =	vld [tilespmem:s24+$0xFFFFFFB0];
	_ =	sdelay $0x4  }
0x12d: {  	v4 =	vshll.u32 v3, $0x3  }
0x12e: {  	v3 =	vand.u32 $0x7, v3;
	v4 =	vand.u32 $0xFFFFFFC0, v4  }
0x12f: {  	v3 =	vor.u32 v3, v4  }
0x130: {  	v4 =	vperm.xlane v3, v0;
	_ =	sdelay $0x1  }
0x131: {  	v4 =	vadd.s32 v1, v4;
	_ =	sdelay $0x4  }
0x132: {  	[tilespmem:s13], [sflag:$0x3] =	stream.indirect_vreg.gather [hbm4b:s2+s3], $0x80, v4, vm0, $0xb8;
	[tilespmem:$0x1A100] =	vst v63  }
0x133: {  	s25 =	simm.s32 $0x11B80;
	v3 =	vperm.xlane v3, v2  }
0x134: {  	[tilespmem:s25], [sflag:$0x3] =	stream.indirect_vreg.gather [hbm4b:s8+s3], $0x80, v4, vm0, $0xb8;
	[tilespmem:$0x1A100] =	vst v63  }
0x135: {  	v3 =	vadd.s32 v1, v3;
	s25 =	simm.s32 $0x12380  }
0x136: {  	[tilespmem:s25], [sflag:$0x3] =	stream.indirect_vreg.gather [hbm4b:s9+s3], $0x80, v4, vm0, $0xb8;
	[tilespmem:$0x1A100] =	vst v63  }
0x137: {  	s25 =	simm.s32 $0x12B80  }
0x138: {  	[tilespmem:s25], [sflag:$0x3] =	stream.indirect_vreg.gather [hbm4b:s10+s3], $0x80, v4, vm0, $0xb8;
	[tilespmem:$0x1A100] =	vst v63  }
0x139: {  	s25 =	simm.s32 $0x13380  }
0x13a: {  	[tilespmem:s25], [sflag:$0x3] =	stream.indirect_vreg.gather [hbm4b:s2+s3], $0x80, v3, vm0, $0xb8;
	[tilespmem:$0x1A100] =	vst v63  }
0x13b: {  	s25 =	simm.s32 $0x13B80  }
0x13c: {  	[tilespmem:s25], [sflag:$0x3] =	stream.indirect_vreg.gather [hbm4b:s8+s3], $0x80, v3, vm0, $0xb8;
	[tilespmem:$0x1A100] =	vst v63  }
0x13d: {  	s25 =	simm.s32 $0x14380  }
0x13e: {  	[tilespmem:s25], [sflag:$0x3] =	stream.indirect_vreg.gather [hbm4b:s9+s3], $0x80, v3, vm0, $0xb8;
	[tilespmem:$0x1A100] =	vst v63  }
0x13f: {  	s25 =	simm.s32 $0x14B80  }
0x140: {  	[tilespmem:s25], [sflag:$0x3] =	stream.indirect_vreg.gather [hbm4b:s10+s3], $0x80, v3, vm0, $0xb8;
	[tilespmem:$0x1A100] =	vst v63  }
0x141: {  	v3 =	vld [tilespmem:s24+$0xFFFFFFC0];
	_ =	sdelay $0x4  }
0x142: {  	v59 =	vshll.u32 v3, $0x3  }
0x143: {  	v3 =	vand.u32 $0x7, v3;
	v4 =	vand.u32 $0xFFFFFFC0, v59  }
0x144: {  	v3 =	vor.u32 v3, v4  }
0x145: {  	v4 =	vperm.xlane v3, v0;
	_ =	sdelay $0x1  }
0x146: {  	v4 =	vadd.s32 v1, v4;
	_ =	sdelay $0x3  }
0x147: {  	s25 =	simm.s32 $0x15380  }
0x148: {  	[tilespmem:s25], [sflag:$0x3] =	stream.indirect_vreg.gather [hbm4b:s2+s3], $0x80, v4, vm0, $0xb8;
	[tilespmem:$0x1A100] =	vst v63  }
0x149: {  	v3 =	vperm.xlane v3, v2;
	s25 =	simm.s32 $0x15B80  }
0x14a: {  	[tilespmem:s25], [sflag:$0x3] =	stream.indirect_vreg.gather [hbm4b:s8+s3], $0x80, v4, vm0, $0xb8;
	[tilespmem:$0x1A100] =	vst v63  }
0x14b: {  	v3 =	vadd.s32 v1, v3  }
0x14c: {  	[tilespmem:s26], [sflag:$0x3] =	stream.indirect_vreg.gather [hbm4b:s9+s3], $0x80, v4, vm0, $0xb8;
	[tilespmem:$0x1A100] =	vst v63  }
0x14d: {  	_ = 	snop  }
0x14e: {  	[tilespmem:s28], [sflag:$0x3] =	stream.indirect_vreg.gather [hbm4b:s10+s3], $0x80, v4, vm0, $0xb8;
	[tilespmem:$0x1A100] =	vst v63  }
0x14f: {  	_ = 	snop  }
0x150: {  	[tilespmem:s31], [sflag:$0x3] =	stream.indirect_vreg.gather [hbm4b:s2+s3], $0x80, v3, vm0, $0xb8;
	[tilespmem:$0x1A100] =	vst v63  }
0x151: {  	_ = 	snop  }
0x152: {  	[tilespmem:s6], [sflag:$0x3] =	stream.indirect_vreg.gather [hbm4b:s8+s3], $0x80, v3, vm0, $0xb8;
	[tilespmem:$0x1A100] =	vst v63  }
0x153: {  	_ = 	snop  }
0x154: {  	[tilespmem:s30], [sflag:$0x3] =	stream.indirect_vreg.gather [hbm4b:s9+s3], $0x80, v3, vm0, $0xb8;
	[tilespmem:$0x1A100] =	vst v63  }
0x155: {  	_ = 	snop  }
0x156: {  	[tilespmem:s11], [sflag:$0x3] =	stream.indirect_vreg.gather [hbm4b:s10+s3], $0x80, v3, vm0, $0xb8;
	[tilespmem:$0x1A100] =	vst v63  }
0x157: {  	_ =	swait.ge [sflag:s14], $0x8000  }
0x158: {  	[sflag:s14] =	ssyncset.done $0x0  }
0x159: {  	s25 =	sadd.s32 $0x4000, s16;
	[sflag:s14] =	ssyncadd.s32 $0xFFFF8000  }
0x15a: {  	[hbm4b:s25+s3] =	stream.linear.scatter [tilespmem:s17], [sflag:$0x5], $0x8000, $0x38;
	[tilespmem:$0x1A100] =	vst v63  }
0x15b: {  	_ =	swait.ge [sflag:s18], $0x8000  }
0x15c: {  	[sflag:s18] =	ssyncset.done $0x0  }
0x15d: {  	[sflag:s18] =	ssyncadd.s32 $0xFFFF8000  }
0x15e: {  	v3 =	vld [tilespmem:s24+$0xFFFFFFD0];
	_ =	sdelay $0x4  }
0x15f: {  	v60 =	vshll.u32 v3, $0x3  }
0x160: {  	v3 =	vand.u32 $0x7, v3;
	v4 =	vand.u32 $0xFFFFFFC0, v60  }
0x161: {  	v3 =	vor.u32 v3, v4  }
0x162: {  	v4 =	vperm.xlane v3, v0;
	_ =	sdelay $0x1  }
0x163: {  	v4 =	vadd.s32 v1, v4;
	_ =	sdelay $0x4  }
0x164: {  	[tilespmem:s0], [sflag:$0x1] =	stream.indirect_vreg.gather [hbm4b:s2+s3], $0x80, v4, vm0, $0xb8;
	[tilespmem:$0x1A100] =	vst v63  }
0x165: {  	s25 =	simm.s32 $0x1B80;
	v3 =	vperm.xlane v3, v2  }
0x166: {  	[tilespmem:s25], [sflag:$0x1] =	stream.indirect_vreg.gather [hbm4b:s8+s3], $0x80, v4, vm0, $0xb8;
	[tilespmem:$0x1A100] =	vst v63  }
0x167: {  	v3 =	vadd.s32 v1, v3;
	s25 =	simm.s32 $0x2380  }
0x168: {  	[tilespmem:s25], [sflag:$0x1] =	stream.indirect_vreg.gather [hbm4b:s9+s3], $0x80, v4, vm0, $0xb8;
	[tilespmem:$0x1A100] =	vst v63  }
0x169: {  	s25 =	simm.s32 $0x2B80  }
0x16a: {  	[tilespmem:s25], [sflag:$0x1] =	stream.indirect_vreg.gather [hbm4b:s10+s3], $0x80, v4, vm0, $0xb8;
	[tilespmem:$0x1A100] =	vst v63  }
0x16b: {  	s25 =	simm.s32 $0x3380  }
0x16c: {  	[tilespmem:s25], [sflag:$0x1] =	stream.indirect_vreg.gather [hbm4b:s2+s3], $0x80, v3, vm0, $0xb8;
	[tilespmem:$0x1A100] =	vst v63  }
0x16d: {  	s25 =	simm.s32 $0x3B80  }
0x16e: {  	[tilespmem:s25], [sflag:$0x1] =	stream.indirect_vreg.gather [hbm4b:s8+s3], $0x80, v3, vm0, $0xb8;
	[tilespmem:$0x1A100] =	vst v63  }
0x16f: {  	s25 =	simm.s32 $0x4380  }
0x170: {  	[tilespmem:s25], [sflag:$0x1] =	stream.indirect_vreg.gather [hbm4b:s9+s3], $0x80, v3, vm0, $0xb8;
	[tilespmem:$0x1A100] =	vst v63  }
0x171: {  	s25 =	simm.s32 $0x4B80  }
0x172: {  	[tilespmem:s25], [sflag:$0x1] =	stream.indirect_vreg.gather [hbm4b:s10+s3], $0x80, v3, vm0, $0xb8;
	[tilespmem:$0x1A100] =	vst v63  }
0x173: {  	v3 =	vld [tilespmem:s24+$0xFFFFFFE0];
	_ =	sdelay $0x4  }
0x174: {  	v61 =	vshll.u32 v3, $0x3  }
0x175: {  	v3 =	vand.u32 $0x7, v3;
	v4 =	vand.u32 $0xFFFFFFC0, v61  }
0x176: {  	v3 =	vor.u32 v3, v4  }
0x177: {  	v4 =	vperm.xlane v3, v0;
	_ =	sdelay $0x1  }
0x178: {  	v4 =	vadd.s32 v1, v4;
	_ =	sdelay $0x3  }
0x179: {  	s25 =	simm.s32 $0x5380  }
0x17a: {  	[tilespmem:s25], [sflag:$0x1] =	stream.indirect_vreg.gather [hbm4b:s2+s3], $0x80, v4, vm0, $0xb8;
	[tilespmem:$0x1A100] =	vst v63  }
0x17b: {  	v3 =	vperm.xlane v3, v2;
	s25 =	simm.s32 $0x5B80  }
0x17c: {  	[tilespmem:s25], [sflag:$0x1] =	stream.indirect_vreg.gather [hbm4b:s8+s3], $0x80, v4, vm0, $0xb8;
	[tilespmem:$0x1A100] =	vst v63  }
0x17d: {  	v3 =	vadd.s32 v1, v3;
	s25 =	simm.s32 $0x6380  }
0x17e: {  	[tilespmem:s25], [sflag:$0x1] =	stream.indirect_vreg.gather [hbm4b:s9+s3], $0x80, v4, vm0, $0xb8;
	[tilespmem:$0x1A100] =	vst v63  }
0x17f: {  	s25 =	simm.s32 $0x6B80  }
0x180: {  	[tilespmem:s25], [sflag:$0x1] =	stream.indirect_vreg.gather [hbm4b:s10+s3], $0x80, v4, vm0, $0xb8;
	[tilespmem:$0x1A100] =	vst v63  }
0x181: {  	s25 =	simm.s32 $0x7380  }
0x182: {  	[tilespmem:s25], [sflag:$0x1] =	stream.indirect_vreg.gather [hbm4b:s2+s3], $0x80, v3, vm0, $0xb8;
	[tilespmem:$0x1A100] =	vst v63  }
0x183: {  	s25 =	simm.s32 $0x7B80  }
0x184: {  	[tilespmem:s25], [sflag:$0x1] =	stream.indirect_vreg.gather [hbm4b:s8+s3], $0x80, v3, vm0, $0xb8;
	[tilespmem:$0x1A100] =	vst v63  }
0x185: {  	s25 =	simm.s32 $0x8380  }
0x186: {  	[tilespmem:s25], [sflag:$0x1] =	stream.indirect_vreg.gather [hbm4b:s9+s3], $0x80, v3, vm0, $0xb8;
	[tilespmem:$0x1A100] =	vst v63  }
0x187: {  	s25 =	simm.s32 $0x8B80  }
0x188: {  	[tilespmem:s25], [sflag:$0x1] =	stream.indirect_vreg.gather [hbm4b:s10+s3], $0x80, v3, vm0, $0xb8;
	[tilespmem:$0x1A100] =	vst v63  }
0x189: {  	_ =	swait.ge [sflag:s7], $0x8000  }
0x18a: {  	[sflag:s7] =	ssyncset.done $0x0  }
0x18b: {  	s16 =	sadd.s32 $0x5000, s16;
	[sflag:s7] =	ssyncadd.s32 $0xFFFF8000  }
0x18c: {  	[hbm4b:s16+s3] =	stream.linear.scatter [tilespmem:s13], [sflag:$0x6], $0x8000, $0x38;
	[tilespmem:$0x1A100] =	vst v63  }
0x18d: {  	_ =	swait.ge [sflag:s22], $0x8000  }
0x18e: {  	[sflag:s22] =	ssyncset.done $0x0  }
0x18f: {  	[sflag:s22] =	ssyncadd.s32 $0xFFFF8000  }
0x190: {  	v3 =	vld [tilespmem:s24+$0xFFFFFFF0];
	_ =	sdelay $0x4  }
0x191: {  	v62 =	vshll.u32 v3, $0x3  }
0x192: {  	v3 =	vand.u32 $0x7, v3;
	v4 =	vand.u32 $0xFFFFFFC0, v62  }
0x193: {  	v3 =	vor.u32 v3, v4  }
0x194: {  	v4 =	vperm.xlane v3, v0;
	_ =	sdelay $0x1  }
0x195: {  	v4 =	vadd.s32 v1, v4;
	_ =	sdelay $0x4  }
0x196: {  	[tilespmem:s17], [sflag:$0x2] =	stream.indirect_vreg.gather [hbm4b:s2+s3], $0x80, v4, vm0, $0xb8;
	[tilespmem:$0x1A100] =	vst v63  }
0x197: {  	s25 =	simm.s32 $0x9B80;
	v3 =	vperm.xlane v3, v2  }
0x198: {  	[tilespmem:s25], [sflag:$0x2] =	stream.indirect_vreg.gather [hbm4b:s8+s3], $0x80, v4, vm0, $0xb8;
	[tilespmem:$0x1A100] =	vst v63  }
0x199: {  	s16 =	simm.s32 $0xA380;
	v3 =	vadd.s32 v1, v3  }
0x19a: {  	[tilespmem:s16], [sflag:$0x2] =	stream.indirect_vreg.gather [hbm4b:s9+s3], $0x80, v4, vm0, $0xb8;
	[tilespmem:$0x1A100] =	vst v63  }
0x19b: {  	s25 =	simm.s32 $0xAB80  }
0x19c: {  	[tilespmem:s25], [sflag:$0x2] =	stream.indirect_vreg.gather [hbm4b:s10+s3], $0x80, v4, vm0, $0xb8;
	[tilespmem:$0x1A100] =	vst v63  }
0x19d: {  	s16 =	simm.s32 $0xB380  }
0x19e: {  	[tilespmem:s16], [sflag:$0x2] =	stream.indirect_vreg.gather [hbm4b:s2+s3], $0x80, v3, vm0, $0xb8;
	[tilespmem:$0x1A100] =	vst v63  }
0x19f: {  	s25 =	simm.s32 $0xBB80  }
0x1a0: {  	[tilespmem:s25], [sflag:$0x2] =	stream.indirect_vreg.gather [hbm4b:s8+s3], $0x80, v3, vm0, $0xb8;
	[tilespmem:$0x1A100] =	vst v63  }
0x1a1: {  	s16 =	simm.s32 $0xC380  }
0x1a2: {  	[tilespmem:s16], [sflag:$0x2] =	stream.indirect_vreg.gather [hbm4b:s9+s3], $0x80, v3, vm0, $0xb8;
	[tilespmem:$0x1A100] =	vst v63  }
0x1a3: {  	s25 =	simm.s32 $0xCB80  }
0x1a4: {  	[tilespmem:s25], [sflag:$0x2] =	stream.indirect_vreg.gather [hbm4b:s10+s3], $0x80, v3, vm0, $0xb8;
	[tilespmem:$0x1A100] =	vst v63  }
0x1a5: {  	v3 =	vld [tilespmem:s24+$0x0];
	_ =	sdelay $0x4  }
0x1a6: {  	v63 =	vshll.u32 v3, $0x3  }
0x1a7: {  	v3 =	vand.u32 $0x7, v3;
	v4 =	vand.u32 $0xFFFFFFC0, v63  }
0x1a8: {  	v3 =	vor.u32 v3, v4  }
0x1a9: {  	v4 =	vperm.xlane v3, v0;
	_ =	sdelay $0x1  }
0x1aa: {  	v4 =	vadd.s32 v1, v4;
	_ =	sdelay $0x3  }
0x1ab: {  	s16 =	simm.s32 $0xD380  }
0x1ac: {  	[tilespmem:s16], [sflag:$0x2] =	stream.indirect_vreg.gather [hbm4b:s2+s3], $0x80, v4, vm0, $0xb8;
	[tilespmem:$0x1A100] =	vst v63  }
0x1ad: {  	s25 =	simm.s32 $0xDB80;
	v3 =	vperm.xlane v3, v2  }
0x1ae: {  	[tilespmem:s25], [sflag:$0x2] =	stream.indirect_vreg.gather [hbm4b:s8+s3], $0x80, v4, vm0, $0xb8;
	[tilespmem:$0x1A100] =	vst v63  }
0x1af: {  	v3 =	vadd.s32 v1, v3;
	s16 =	simm.s32 $0xE380  }
0x1b0: {  	[tilespmem:s16], [sflag:$0x2] =	stream.indirect_vreg.gather [hbm4b:s9+s3], $0x80, v4, vm0, $0xb8;
	[tilespmem:$0x1A100] =	vst v63  }
0x1b1: {  	_ = 	snop  }
0x1b2: {  	[tilespmem:s21], [sflag:$0x2] =	stream.indirect_vreg.gather [hbm4b:s10+s3], $0x80, v4, vm0, $0xb8;
	[tilespmem:$0x1A100] =	vst v63  }
0x1b3: {  	_ = 	snop  }
0x1b4: {  	[tilespmem:s19], [sflag:$0x2] =	stream.indirect_vreg.gather [hbm4b:s2+s3], $0x80, v3, vm0, $0xb8;
	[tilespmem:$0x1A100] =	vst v63  }
0x1b5: {  	p0 =	sne.s32 s12, $0x2A000;
	s25 =	simm.s32 $0xFB80  }
0x1b6: {  	[tilespmem:s25], [sflag:$0x2] =	stream.indirect_vreg.gather [hbm4b:s8+s3], $0x80, v3, vm0, $0xb8;
	[tilespmem:$0x1A100] =	vst v63  }
.Ltmp2:
0x1b7: {  	_ = 	snop;
	(pc) =	sbr.rel @p0 .LBB2_6-.Ltmp2, $4  }
0x1b8: {  	_ = 	snop  }
0x1b9: {  	[tilespmem:s29], [sflag:$0x2] =	stream.indirect_vreg.gather [hbm4b:s9+s3], $0x80, v3, vm0, $0xb8;
	[tilespmem:$0x1A100] =	vst v63  }
0x1ba: {  	s12 =	sadd.s32 $0x3000, s12;
	s24 =	sadd.s32 $0x60, s24;
	s25 =	simm.s32 $0x10B80  }
0x1bb: {  	[tilespmem:s25], [sflag:$0x2] =	stream.indirect_vreg.gather [hbm4b:s10+s3], $0x80, v3, vm0, $0xb8;
	[tilespmem:$0x1A100] =	vst v63  }
0x1bc: {  	_ =	swait.ge [sflag:s1], $0x8000  }
0x1bd: {  	[sflag:s1] =	ssyncset.done $0x0  }
0x1be: {  	s12 =	simm.s32 $0x0;
	s16 =	rddreg [dreg:$0x9];
	[sflag:s1] =	ssyncadd.s32 $0xFFFF8000  }
0x1bf: {  	[hbm4b:s16+s12] =	stream.linear.scatter [tilespmem:s0], [sflag:$0x4], $0x8000, $0x38;
	[tilespmem:$0x1A100] =	vst v63  }
0x1c0: {  	_ =	swait.ge [sflag:s15], $0x8000  }
0x1c1: {  	[sflag:s15] =	ssyncset.done $0x0  }
0x1c2: {  	[sflag:s15] =	ssyncadd.s32 $0xFFFF8000  }
0x1c3: {  	_ =	swait.ge [sflag:s14], $0x8000  }
0x1c4: {  	[sflag:s14] =	ssyncset.done $0x0  }
0x1c5: {  	s25 =	rddreg [dreg:$0xa];
	[sflag:s14] =	ssyncadd.s32 $0xFFFF8000  }
0x1c6: {  	[hbm4b:s25+s12] =	stream.linear.scatter [tilespmem:s17], [sflag:$0x5], $0x8000, $0x38;
	[tilespmem:$0x1A100] =	vst v63  }
0x1c7: {  	_ =	swait.ge [sflag:s18], $0x8000  }
0x1c8: {  	[sflag:s18] =	ssyncset.done $0x0  }
0x1c9: {  	[sflag:s18] =	ssyncadd.s32 $0xFFFF8000  }
0x1ca: {  	_ =	swait.ge [sflag:s22], $0x8000  }
0x1cb: {  	[sflag:s22] =	ssyncset.done $0x0  }
0x1cc: {  	[sflag:s22] =	ssyncadd.s32 $0xFFFF8000  }
0x1cd: {  	_ =	swait.ge [sflag:s23], $0x50  }
0x1ce: {  	[sflag:s23] =	ssyncset.done $0x0  }
0x1cf: {  	[sflag:s23] =	ssyncadd.s32 $0xFFFFFFB0  }
0x1d0: {  	_ =	swait.ge [sflag:s23], $0x50  }
0x1d1: {  	[sflag:s23] =	ssyncset.done $0x0  }
0x1d2: {  	[sflag:s23] =	ssyncadd.s32 $0xFFFFFFB0  }
0x1d3: {  	_ =	swait.ge [sflag:s23], $0x50  }
0x1d4: {  	[sflag:s23] =	ssyncset.done $0x0  }
0x1d5: {  	[sflag:s23] =	ssyncadd.s32 $0xFFFFFFB0  }
0x1d6: {  	_ =	swait.ge [sflag:s23], $0x50  }
0x1d7: {  	[sflag:s23] =	ssyncset.done $0x0  }
0x1d8: {  	[sflag:s23] =	ssyncadd.s32 $0xFFFFFFB0  }
0x1d9: {  	_ =	swait.ge [sflag:s23], $0x50  }
0x1da: {  	[sflag:s23] =	ssyncset.done $0x0  }
0x1db: {  	[sflag:s23] =	ssyncadd.s32 $0xFFFFFFB0  }
0x1dc: {  	_ =	swait.ge [sflag:s23], $0x50  }
0x1dd: {  	[sflag:s23] =	ssyncset.done $0x0  }
0x1de: {  	[sflag:s23] =	ssyncadd.s32 $0xFFFFFFB0  }
0x1df: {  	_ =	swait.ge [sflag:s23], $0x50  }
0x1e0: {  	[sflag:s23] =	ssyncset.done $0x0  }
0x1e1: {  	[sflag:s23] =	ssyncadd.s32 $0xFFFFFFB0  }
0x1e2: {  	_ =	swait.ge [sflag:s23], $0x50  }
0x1e3: {  	[sflag:s23] =	ssyncset.done $0x0  }
0x1e4: {  	[sflag:s23] =	ssyncadd.s32 $0xFFFFFFB0  }
0x1e5: {  	_ =	swait.ge [sflag:s23], $0x50  }
0x1e6: {  	[sflag:s23] =	ssyncset.done $0x0  }
0x1e7: {  	[sflag:s23] =	ssyncadd.s32 $0xFFFFFFB0  }
0x1e8: {  	_ =	swait.ge [sflag:s23], $0x50  }
0x1e9: {  	[sflag:s23] =	ssyncset.done $0x0  }
0x1ea: {  	[sflag:s23] =	ssyncadd.s32 $0xFFFFFFB0  }
0x1eb: {  	_ =	swait.ge [sflag:s23], $0x50  }
0x1ec: {  	[sflag:s23] =	ssyncset.done $0x0  }
0x1ed: {  	[sflag:s23] =	ssyncadd.s32 $0xFFFFFFB0  }
0x1ee: {  	_ =	swait.ge [sflag:s23], $0x50  }
0x1ef: {  	[sflag:s23] =	ssyncset.done $0x0  }
0x1f0: {  	[sflag:s23] =	ssyncadd.s32 $0xFFFFFFB0  }
0x1f1: {  	_ =	swait.ge [sflag:s23], $0x50  }
0x1f2: {  	[sflag:s23] =	ssyncset.done $0x0  }
0x1f3: {  	[sflag:s23] =	ssyncadd.s32 $0xFFFFFFB0  }
0x1f4: {  	_ =	swait.ge [sflag:s23], $0x50  }
0x1f5: {  	[sflag:s23] =	ssyncset.done $0x0  }
0x1f6: {  	[sflag:s23] =	ssyncadd.s32 $0xFFFFFFB0  }
0x1f7: {  	_ =	swait.ge [sflag:s23], $0x50  }
0x1f8: {  	[sflag:s23] =	ssyncset.done $0x0  }
0x1f9: {  	[sflag:s23] =	ssyncadd.s32 $0xFFFFFFB0  }
0x1fa: {  	_ =	swait.ge [sflag:s23], $0x50  }
0x1fb: {  	[sflag:s23] =	ssyncset.done $0x0  }
0x1fc: {  	[sflag:s23] =	ssyncadd.s32 $0xFFFFFFB0  }
0x1fd: {  	_ =	swait.ge [sflag:s23], $0x50  }
0x1fe: {  	[sflag:s23] =	ssyncset.done $0x0  }
0x1ff: {  	[sflag:s23] =	ssyncadd.s32 $0xFFFFFFB0  }
0x200: {  	_ =	swait.ge [sflag:s23], $0x50  }
0x201: {  	[sflag:s23] =	ssyncset.done $0x0  }
0x202: {  	[sflag:s23] =	ssyncadd.s32 $0xFFFFFFB0  }
0x203: {  	_ =	swait.ge [sflag:s23], $0x50  }
0x204: {  	[sflag:s23] =	ssyncset.done $0x0  }
0x205: {  	[sflag:s23] =	ssyncadd.s32 $0xFFFFFFB0  }
0x206: {  	_ =	swait.ge [sflag:s23], $0x50  }
0x207: {  	[sflag:s23] =	ssyncset.done $0x0  }
0x208: {  	[sflag:s23] =	ssyncadd.s32 $0xFFFFFFB0  }
0x209: {  	_ =	swait.ge [sflag:s23], $0x50  }
0x20a: {  	[sflag:s23] =	ssyncset.done $0x0  }
0x20b: {  	[sflag:s23] =	ssyncadd.s32 $0xFFFFFFB0  }
0x20c: {  	_ =	swait.ge [sflag:s23], $0x50  }
0x20d: {  	[sflag:s23] =	ssyncset.done $0x0  }
0x20e: {  	[sflag:s23] =	ssyncadd.s32 $0xFFFFFFB0  }
0x20f: {  	_ =	swait.ge [sflag:s23], $0x50  }
0x210: {  	[sflag:s23] =	ssyncset.done $0x0  }
0x211: {  	[sflag:s23] =	ssyncadd.s32 $0xFFFFFFB0  }
0x212: {  	_ =	swait.ge [sflag:s23], $0x50  }
0x213: {  	[sflag:s23] =	ssyncset.done $0x0  }
0x214: {  	[sflag:s23] =	ssyncadd.s32 $0xFFFFFFB0  }
0x215: {  	_ =	swait.ge [sflag:s23], $0x50  }
0x216: {  	[sflag:s23] =	ssyncset.done $0x0  }
0x217: {  	[sflag:s23] =	ssyncadd.s32 $0xFFFFFFB0  }
0x218: {  	_ =	swait.ge [sflag:s23], $0x50  }
0x219: {  	[sflag:s23] =	ssyncset.done $0x0  }
0x21a: {  	[sflag:s23] =	ssyncadd.s32 $0xFFFFFFB0  }
0x21b: {  	_ =	swait.ge [sflag:s23], $0x50  }
0x21c: {  	[sflag:s23] =	ssyncset.done $0x0  }
0x21d: {  	[sflag:s23] =	ssyncadd.s32 $0xFFFFFFB0  }
0x21e: {  	_ =	swait.ge [sflag:s23], $0x50  }
0x21f: {  	[sflag:s23] =	ssyncset.done $0x0  }
0x220: {  	[sflag:s23] =	ssyncadd.s32 $0xFFFFFFB0  }
0x221: {  	_ =	swait.ge [sflag:s23], $0x50  }
0x222: {  	[sflag:s23] =	ssyncset.done $0x0  }
0x223: {  	[sflag:s23] =	ssyncadd.s32 $0xFFFFFFB0  }
0x224: {  	_ =	swait.ge [sflag:s23], $0x50  }
0x225: {  	[sflag:s23] =	ssyncset.done $0x0  }
0x226: {  	[sflag:s23] =	ssyncadd.s32 $0xFFFFFFB0  }
0x227: {  	_ =	swait.ge [sflag:s23], $0x50  }
0x228: {  	[sflag:s23] =	ssyncset.done $0x0  }
0x229: {  	[sflag:s23] =	ssyncadd.s32 $0xFFFFFFB0  }
0x22a: {  	_ =	swait.ge [sflag:s23], $0x50  }
0x22b: {  	[sflag:s23] =	ssyncset.done $0x0  }
0x22c: {  	[sflag:s23] =	ssyncadd.s32 $0xFFFFFFB0  }
0x22d: {  	_ =	swait.ge [sflag:s23], $0x50  }
0x22e: {  	[sflag:s23] =	ssyncset.done $0x0  }
0x22f: {  	[sflag:s23] =	ssyncadd.s32 $0xFFFFFFB0  }
0x230: {  	_ =	swait.ge [sflag:s23], $0x50  }
0x231: {  	[sflag:s23] =	ssyncset.done $0x0  }
0x232: {  	[sflag:s23] =	ssyncadd.s32 $0xFFFFFFB0  }
0x233: {  	_ =	swait.ge [sflag:s23], $0x50  }
0x234: {  	[sflag:s23] =	ssyncset.done $0x0  }
0x235: {  	[sflag:s23] =	ssyncadd.s32 $0xFFFFFFB0  }
0x236: {  	_ =	swait.ge [sflag:s23], $0x50  }
0x237: {  	[sflag:s23] =	ssyncset.done $0x0  }
0x238: {  	[sflag:s23] =	ssyncadd.s32 $0xFFFFFFB0  }
0x239: {  	_ =	swait.ge [sflag:s23], $0x50  }
0x23a: {  	[sflag:s23] =	ssyncset.done $0x0  }
0x23b: {  	[sflag:s23] =	ssyncadd.s32 $0xFFFFFFB0  }
0x23c: {  	_ =	swait.ge [sflag:s23], $0x50  }
0x23d: {  	[sflag:s23] =	ssyncset.done $0x0  }
0x23e: {  	[sflag:s23] =	ssyncadd.s32 $0xFFFFFFB0  }
0x23f: {  	_ =	swait.ge [sflag:s23], $0x50  }
0x240: {  	[sflag:s23] =	ssyncset.done $0x0  }
0x241: {  	[sflag:s23] =	ssyncadd.s32 $0xFFFFFFB0  }
0x242: {  	_ =	swait.ge [sflag:s23], $0x50  }
0x243: {  	[sflag:s23] =	ssyncset.done $0x0  }
0x244: {  	s29 =	simm.s32 $0x0;
	[sflag:s23] =	ssyncadd.s32 $0xFFFFFFB0  }
0x245: {  	v4 =	vld [tilespmem:s29+$0x19A00]  }
0x246: {  	v3 =	vimm.f32 $0.0e+00;
	s13 =	simm.s32 $0x9380;
	s0 =	simm.s32 $0x1380;
	s12 =	simm.s32 $0x40;
	v5 =	vld [tilespmem:s29+$0x19380]  }
.LBB2_8:
0x247: {  	_ = 	snop  }
0x248: {  	p0 =	sne.s32 s12, $0x18C0  }
.Ltmp3:
0x249: {  	_ = 	snop;
	(pc) =	sbr.rel @p0 .LBB2_8-.Ltmp3, $4  }
0x24a: {  	_ = 	snop  }
0x24b: {  	s16 =	sshra.s32 s12, $0x2;
	v6 =	vsub.f32 v4, v5  }
0x24c: {  	v4 =	vld [tilespmem:s16+$0x19A00]  }
0x24d: {  	s12 =	sadd.s32 $0x40, s12;
	v5 =	vld [tilespmem:s16+$0x19380];
	v3 =	vadd.f32 v6, v3  }
0x24e: {  	_ =	sdelay $0x3  }
0x24f: {  	v4 =	vsub.f32 v4, v5;
	_ =	sdelay $0x1  }
0x250: {  	v3 =	vadd.f32 v4, v3;
	_ =	sdelay $0x1  }
0x251: {  	v3 =	vmul.f32 $1.953124960e-05, v3;
	_ =	sdelay $0x1  }
0x252: {  	s12 =	rddreg [dreg:$0xb];
	s6 =	simm.s32 $0x1A080;
	s16 =	simm.s32 $0x8;
	[tilespmem:$0x1A080] =	vst v3  }
0x253: {  	[hbm4b:s12+s3] =	stream.linear.scatter [tilespmem:s6], [sflag:$0x8], $0x10, $0x38;
	[tilespmem:$0x1A100] =	vst v63  }
0x254: {  	_ =	swait.ge [sflag:s16], $0x10  }
0x255: {  	s21 =	rddreg [dreg:$0xd]  }
0x256: {  	s29 =	rddreg [dreg:$0xc];
	s21 =	sadd.s32 $0x1, s21  }
0x257: {  	p0 =	sne.s32 s21, s29  }
.Ltmp4:
0x258: {  	_ = 	snop;
	(pc) =	sbr.rel @p0 .LBB2_1-.Ltmp4, $3  }
0x259: {  	_ =	sdelay $0x1  }
0x25a: {  	s17 =	simm.s32 $0xEB80;
	s19 =	simm.s32 $0xF380;
	[sflag:s16] =	ssyncset.done $0x0  }
0x25b: {  	s11 =	simm.s32 $0x11380;
	s6 =	simm.s32 $0x10380;
	[sflag:s16] =	ssyncadd.s32 $0xFFFFFFF0  }
0x25c: {  	_ =	sfence.sel $0x180000  }
0x25d: {  	[bflag:$0x0] =	sbarrier.arrive $0xFFFF  }
0x25e: {  	_ =	strace $0x90000047  }
0x25f: {  	s0 =	stileid.u32;
	[bflag:$0x2] =	sbarrier.arrive $0xFFFF  }
0x260: {  	p0 =	sne.s32 s0, $0x0;
	s0 =	rddreg [dreg:$0x2]  }
0x261: {  	s0 =	sadd.s32 @!p0 $0x100000, s0  }
0x262: {  	[sflag:s0] =	ssyncadd.tile.s32 @!p0 $0x1;
	_ =	shalt  }
.Lfunc_end2:
_tile_overlayer_lowered:
.L_overlay_start_2:
0x263: {  	(tag) =	ssettag $0x2  }
0x264: {  	s0 =	rddreg [dreg:$0x0];
	s2 =	stileid.u32  }
0x265: {  	s1 =	rddreg [dreg:$0x1];
	p0 =	sne.s32 s2, $0x0  }
0x266: {  	s3 =	rddreg [dreg:$0x2];
	[bflag:$0x3] =	sbarrier.arrive $0xFFFF;
	s2 =	simm.s32 @!p0 $0x1C08  }
0x267: {  	[timem:s3], [sflag:s2] =	dma.local @!p0 [hbm:s0], s1  }
0x268: {  	s0 =	simm.s32 @!p0 $0x8  }
0x269: {  	_ =	swait.ge @!p0 [sflag:s0], s1  }
0x26a: {  	s1 =	ssub.s32 @!p0 $0x0, s1;
	[sflag:s0] =	ssyncset.done @!p0 $0x0  }
0x26b: {  	[sflag:s0] =	ssyncadd.s32 @!p0 s1  }
0x26c: {  	[bflag:$0x3] =	sbarrier.arrive $0xFFFF  }
0x26d: {  	_ =	shalt  }

// kernel: sparse-core-data-format-call.cloned.1.call-start
scs
called_computation_lowered:
.L_overlay_start_0:
0x0: {  	s2 =	sld [smem:$0x3FD9]  }
0x1: {  	s3 =	sld [smem:$0x3FFE];
	_ =	sdelay $0x1  }
0x2: {  	s1 =	srdreg.scid  }
0x3: {  	s0 =	sand.u32 $0x1, s1  }
0x4: {  	s15 =	sshll.u32 s0, $0xA;
	s2 =	sadd.s32 s3, s2  }
0x5: {  	s2 =	sadd.s32 s2, s15  }
0x6: {  	[smem:$0x3FC5] =	sst s2  }
0x7: {  	_ = 	snop  }
0x8: {  	s2 =	sld [smem:$0x3FD0];
	_ =	sdelay $0x2  }
0x9: {  	s16 =	simm.s32 $0xA;
	s4 =	simm.s32 $0x10  }
0xa: {  	[smem:s4], [sflag:s16] =	dma.local [hbm:s2], $0x1  }
0xb: {  	_ =	swait.eq [sflag:s16], $0x1  }
0xc: {  	[sflag:s16] =	ssyncset.done $0x0  }
0xd: {  	[sflag:s16] =	ssyncadd.s32 $0xFFFFFFFF  }
0xe: {  	s17 =	sld [smem:$0x10];
	(tm) =	ssettm $0x1  }
0xf: {  	s18 =	sld [smem:$0x3FFB];
	_ =	sdelay $0x3  }
0x10: {  	_ =	strace s18  }
0x11: {  	s3 =	sld [smem:$0x3FFC];
	_ =	sdelay $0x3  }
0x12: {  	_ =	strace s3  }
0x13: {  	s3 =	sld [smem:$0x3FFD];
	_ =	sdelay $0x3  }
0x14: {  	_ =	strace s3  }
0x15: {  	_ =	strace $0x8FFFFFFF  }
0x16: {  	s19 =	sld [smem:$0x3FDB];
	_ =	sdelay $0x1  }
0x17: {  	s20 =	simm.s32 $_scs_section_size  }
0x18: {  	s5 =	simm.s32 $_size__tile_overlayer_lowered;
	s6 =	simm.s32 $_tile_overlayer_lowered  }
0x19: {  	s23 =	simm.s32 $0x1BFF;
	s22 =	sshll.u32 s6, $0x1;
	s3 =	sadd.s32 s20, s19  }
0x1a: {  	s7 =	simm.s32 $0x0;
	s21 =	sshll.u32 s5, $0x1;
	s5 =	sadd.s32 s22, s3  }
0x1b: {  	[timem:s7], [sflag:s23] =	dma.local [hbm:s5], s21  }
0x1c: {  	_ =	swait.ge [sflag:s23], s21  }
0x1d: {  	s4 =	ssub.s32 $0x0, s21;
	[sflag:s23] =	ssyncset.done $0x0  }
0x1e: {  	[sflag:s23] =	ssyncadd.s32 s4;
	_ =	sdelay $0x1  }
0x1f: {  	s24 =	simm.s32 $0x1B8B  }
0x20: {  	_ =	swait.ge [sflag:s24], $0x1  }
0x21: {  	[sflag:s24] =	ssyncset.done $0x0  }
0x22: {  	s26 =	simm.s32 $0x1B8E;
	s25 =	sld [smem:$0x3FFE];
	[sflag:s24] =	ssyncadd.s32 $0xFFFFFFFF  }
0x23: {  	s27 =	simm.s32 $execute0_lowered;
	[smem:$0x3FD2] =	sst s26  }
0x24: {  	s5 =	sshll.u32 s27, $0x1;
	_ =	strace $0x80000049;
	[dreg:$0x1] =	wrdreg $0xFFFFFFFF  }
0x25: {  	s28 =	simm.s32 $_size_execute0_lowered;
	s3 =	sadd.s32 s3, s5;
	[dreg:$0x0] =	wrdreg $0x0  }
0x26: {  	s5 =	sshll.u32 s28, $0x1;
	[dreg:$0x2] =	wrdreg s3  }
0x27: {  	[dreg:$0x3] =	wrdreg s5  }
0x28: {  	[dreg:$0x4] =	wrdreg $0xC0  }
0x29: {  	_ =	task [dreg:s7], $0x5FFFF  }
0x2a: {  	[dreg:$0x1] =	wrdreg $0xFFFFFFFF  }
0x2b: {  	[dreg:$0x0] =	wrdreg $0x60  }
0x2c: {  	[dreg:$0x2] =	wrdreg s25  }
0x2d: {  	[dreg:$0x3] =	wrdreg s17  }
0x2e: {  	[dreg:$0x4] =	wrdreg $0x9  }
0x2f: {  	_ =	task.clear_ibuf [dreg:s7], $0x5FFFF;
	_ =	strace $0x90000049  }
0x30: {  	s29 =	simm.s32 $0x9;
	_ =	strace $0x8000004B  }
0x31: {  	_ =	swait.ge [sflag:s29], $0x1  }
0x32: {  	[sflag:s29] =	ssyncadd.s32 $0xFFFFFFFF  }
0x33: {  	_ =	strace $0x9000004B  }
0x34: {  	_ =	sfence  }
0x35: {  	s30 =	sld [smem:$0x0];
	_ =	sdelay $0x2  }
0x36: {  	s31 =	sshll.u32 s1, $0xD;
	s1 =	sshrl.u32 s1, $0x2  }
0x37: {  	s3 =	sand.u32 $0x4000, s31;
	s1 =	sadd.s32 s1, s30  }
0x38: {  	s0 =	sor.u32 s3, s0;
	s1 =	sshll.u32 s1, $0x11  }
0x39: {  	s0 =	sor.u32 s1, s0  }
0x3a: {  	s0 =	sadd.s32 $0x8F2B, s0  }
0x3b: {  	[sflag:s0] =	ssyncadd.remote.s32 $0x1  }
0x3c: {  	_ =	sfence.sel $0xFFFF  }
0x3d: {  	[dreg:$0x0] =	wrdreg $0xFFFFFFFF;
	(pc) =	sbr.abs _section_cstart, $3  }
0x3e: {  	[dreg:$0x1] =	wrdreg $0xFFFFFFFF  }
0x3f: {  	_ =	task.clear_ibuf [dreg:s7], $0x2FFFF;
	_ =	strace $0x9FFFFFFF  }
0x40: {  	(tm) =	ssettm $0x7FFFFFFF  }
0x41: {  	_ =	shalt  }
tec
execute0_lowered:
.L_overlay_start_1:
0x0: {  	(tag) =	ssettag $0x1  }
0x1: {  	s4 =	rddreg [dreg:$0x0]  }
0x2: {  	s2 =	rddreg [dreg:$0x1];
	s1 =	stileid.u32  }
0x3: {  	s3 =	srdreg.scid;
	s0 =	rddreg [dreg:$0x2];
	_ =	strace $0x8000004A  }
0x4: {  	s10 =	simm.s32 $0x2;
	s14 =	simm.s32 $0x0;
	s16 =	simm.s32 $0x0  }
0x5: {  	s12 =	simm.s32 $0x0;
	s15 =	simm.s32 $0x0;
	s3 =	sshll.u32 s3, $0x4  }
0x6: {  	s5 =	sshll.u32 s1, $0x7;
	s4 =	sadd.s32 $0x22C00, s4;
	s6 =	sand.u32 $0x10, s3  }
0x7: {  	s3 =	sand.u32 $0x180, s5;
	s5 =	simm.s32 $0x1;
	s8 =	sor.u32 s1, s6  }
0x8: {  	s31 =	ssub.s32 $0xC800, s3;
	[sflag:s5] =	ssyncpa.u1 $0x0;
	s13 =	smov.u32 s3  }
.Ltmp0:
0x9: {  	s7 =	sshll.u32 s8, $0x5;
	s9 =	sand.u32 $0x180, s31;
	(pc) =	sbr.rel .LBB1_1-.Ltmp0, $4  }
0xa: {  	s11 =	sshrl.u32 s31, $0x9;
	p0 =	sne.s32 s9, $0x0;
	s9 =	simm.s32 $0x1  }
0xb: {  	[sflag:s10] =	ssyncpa.u1 $0x0;
	s8 =	sshll.u32 s8, $0x8;
	s9 =	simm.s32 @!p0 $0x0  }
0xc: {  	s10 =	simm.s32 $0x64000;
	s6 =	sand.u32 $0x380, s7;
	s7 =	sadd.s32 s9, s11  }
0xd: {  	p0 =	por $0x0, $0x0;
	s11 =	simm.s32 $0x0;
	s9 =	sadd.s32 $0x1, s7  }
.LBB1_4:
0xe: {  	s22 =	sshrl.u32 s11, $0x3  }
0xf: {  	s23 =	sshll.u32 s12, $0x3;
	s24 =	sand.u32 $0x7F, s12;
	s22 =	smul.u32 $0x64000, s22  }
0x10: {  	v5 =	vld [tilespmem:s18+$0xFFFFFFD0];
	s21 =	sshra.s32 s21, $0x2;
	s25 =	sshra.s32 s12, $0x1F;
	s23 =	sand.u32 $0xFFFFFC00, s23  }
0x11: {  	[tilespmem:s20+$0x2040 ss:$0x81] =	vst.msk $0xffff, v4;
	v58 =	vld [tilespmem:s18+$0xFFFFFFE0];
	p1 =	sgt.s32 s12, $0xC780;
	s25 =	sand.u32 s25, s12;
	s22 =	sadd.s32 s23, s22  }
0x12: {  	[tilespmem:s20+$0x2850 ss:$0x81] =	vst.msk $0xffff, v3;
	v59 =	vld [tilespmem:s18+$0xFFFFFFF0];
	s23 =	sor.u32 s24, s22;
	s22 =	smulhi.u32 $0x51EB851F, s22;
	s24 =	smov.u32 s12  }
0x13: {  	[tilespmem:s20+$0x3060 ss:$0x81] =	vst.msk $0xffff, v2;
	v60 =	vld [tilespmem:s18+$0x0];
	s19 =	sadd.s32 s21, s19;
	s26 =	smulhi.u32 $0x51EB851F, s23;
	s24 =	simm.s32 @!p1 $0xC780  }
0x14: {  	[tilespmem:s20+$0x0 ss:$0x81] =	vst.msk $0xffff, v0;
	v61 =	vld [tilespmem:s18+$0x10];
	p1 =	sgt.s32 s11, $0x368;
	s28 =	sshrl.u32 s22, $0xE;
	s29 =	ssub.s32 s24, s25  }
0x15: {  	[tilespmem:s19+$0x3870 ss:$0x81] =	vst.msk $0xffff, v1;
	s30 =	sshrl.u32 s26, $0xE;
	s31 =	smulhi.u32 $0x418938, s28;
	s25 =	sadd.s32 $0xFFFF3880, s29  }
0x16: {  	v62 =	vld [tilespmem:s18+$0x20];
	[tilespmem:s19+$0x810 ss:$0x81] =	vst.msk $0xffff, v5;
	s22 =	smul.u32 $0xC800, s30;
	p2 =	sgt.s32 s25, $0x7F;
	s25 =	smov.u32 s11  }
0x17: {  	v63 =	vld [tilespmem:s18+$0xFFFFFFC0];
	[tilespmem:s19+$0x1020 ss:$0x81] =	vst.msk $0xffff, v58;
	s21 =	ssub.s32 $0xC800, s29;
	s25 =	simm.s32 @!p1 $0x368;
	s26 =	smul.u32 $0x3E8, s31  }
0x18: {  	[tilespmem:s19+$0x1830 ss:$0x81] =	vst.msk $0xffff, v59;
	s21 =	simm.s32 @p2 $0x0;
	s27 =	ssub.s32 $0x3E8, s25  }
0x19: {  	[tilespmem:s19+$0x2040 ss:$0x81] =	vst.msk $0xffff, v60;
	s22 =	ssub.s32 s23, s22;
	s18 =	ssub.s32 s28, s26;
	s28 =	smul.u32 s27, s21  }
0x1a: {  	[tilespmem:s19+$0x2850 ss:$0x81] =	vst.msk $0xffff, v61;
	s29 =	sshrl.u32 s22, $0x3;
	s22 =	sand.u32 $0x7, s22;
	s18 =	smul.u32 $0x1900, s18  }
0x1b: {  	[tilespmem:s19+$0x3060 ss:$0x81] =	vst.msk $0xffff, v62;
	s21 =	sadd.s32 s2, s29;
	s22 =	sshll.u32 s22, $0x12  }
0x1c: {  	[tilespmem:s19+$0x0 ss:$0x81] =	vst.msk $0xffff, v63;
	s30 =	sand.u32 $0x3FFFFFF8, s28;
	s31 =	sor.u32 $0x400, s22;
	s18 =	sadd.s32 s18, s21  }
0x1d: {  	[hbm4b:s18+s31] =	stream.strided.scatter [tilespmem:s17], [sflag:$0x2], s30, s10, s31, $0x20;
	[tilespmem:$0x10100] =	vst v63  }
.LBB1_5:
0x1e: {  	p1 =	slt.u32 s15, $0x2  }
0x1f: {  	p2 =	sgt.s32 @!p1 s16, $0xC780  }
0x20: {  	s17 =	smov.u32 s16;
	s18 =	sshra.s32 @!p1 s16, $0x1F;
	p2 =	por !p2, p1  }
0x21: {  	s16 =	sand.u32 @!p1 s18, s16;
	s17 =	simm.s32 @p2 $0xC780  }
0x22: {  	s16 =	ssub.s32 @!p1 s17, s16  }
0x23: {  	p2 =	sgt.s32 @!p1 s14, $0x368;
	s17 =	sadd.s32 @!p1 $0xFFFF3880, s16  }
0x24: {  	s18 =	sadd.s32 $0x200, s13;
	p2 =	por !p2, p1;
	p3 =	sgt.s32 @!p1 s17, $0x7F  }
0x25: {  	s14 =	simm.s32 @p2 $0x368;
	s16 =	ssub.s32 @!p1 $0xC800, s16;
	p2 =	por !p3, p1  }
0x26: {  	s14 =	ssub.s32 @!p1 $0x3E8, s14;
	s16 =	simm.s32 @!p2 $0x0;
	p2 =	sgt.s32 s18, $0xC7FF  }
0x27: {  	s14 =	smul.u32 @!p1 s14, s16;
	s18 =	smov.u32 @p2 s3;
	p2 =	sne.s32 s15, s9  }
.Ltmp1:
0x28: {  	s20 =	sadd.s32 $0x1, s15;
	p0 =	por !p0, !p0;
	(pc) =	sbr.rel @!p2 .LBB1_6-.Ltmp1, $4  }
0x29: {  	s17 =	simm.s32 @!p1 $0x2;
	s16 =	smov.u32 s12;
	s14 =	sand.u32 @!p1 $0x3FFFFFFF, s14  }
0x2a: {  	s12 =	smov.u32 s13;
	s15 =	smov.u32 s20;
	_ =	swait.ge @!p1 [sflag:s17], s14  }
0x2b: {  	s13 =	smov.u32 s18;
	s19 =	ssub.s32 @!p1 $0x0, s14;
	[sflag:s17] =	ssyncset.done @!p1 $0x0  }
0x2c: {  	s14 =	smov.u32 s11;
	s11 =	smov.u32 s6;
	[sflag:s17] =	ssyncadd.s32 @!p1 s19  }
.LBB1_1:
0x2d: {  	p1 =	sge.u32 s15, s7  }
0x2e: {  	s17 =	sshll.u32 @!p1 s13, $0xA  }
0x2f: {  	s17 =	sand.u32 @!p1 $0xFFFFE000, s17  }
0x30: {  	s17 =	sor.u32 @!p1 s8, s17  }
0x31: {  	s17 =	sshrl.u32 @!p1 s17, $0xA  }
0x32: {  	s18 =	smulhi.u32 @!p1 $0x28F5C3, s17;
	_ =	sdelay $0x1  }
0x33: {  	s18 =	sshrl.u32 @!p1 s18, $0x5  }
0x34: {  	s18 =	smul.u32 @!p1 $0xC800, s18  }
0x35: {  	s31 =	sadd.s32 $0xFFFFFFFF, s15;
	s19 =	sxor.u32 @!p1 $0xFFFFFFFF, s15;
	s20 =	sshll.u32 @!p1 s13, $0x4  }
0x36: {  	s19 =	sshll.u32 @!p1 s19, $0xE;
	s17 =	ssub.s32 @!p1 s17, s18;
	s18 =	sand.u32 @!p1 $0x70, s20  }
0x37: {  	s19 =	sand.u32 @!p1 $0x4000, s19;
	s17 =	sshll.u32 @!p1 s17, $0x7;
	s18 =	sadd.s32 @!p1 s4, s18  }
0x38: {  	s20 =	simm.s32 @!p1 $0x2000;
	s17 =	sadd.s32 @!p1 s17, s18;
	s18 =	simm.s32 @!p1 $0x400  }
0x39: {  	[tilespmem:s19], [sflag:$0x1] =	stream.strided.gather @!p1 [hbm4b:s17+s18], $0x4000, s20, s18, $0x38;
	[tilespmem:$0x10100] =	vst v63  }
0x3a: {  	p1 =	sge.u32 s31, s7  }
.Ltmp2:
0x3b: {  	_ = 	snop;
	(pc) =	sbr.rel @p1 .LBB1_5-.Ltmp2, $1  }
0x3c: {  	_ =	sdelay $0x3  }
0x3d: {  	s17 =	simm.s32 $0x1  }
0x3e: {  	_ =	swait.ge [sflag:s5], $0x4000;
	s17 =	simm.s32 @!p0 $0x0  }
0x3f: {  	[sflag:s5] =	ssyncset.done $0x0;
	s18 =	sshll.u32 s17, $0xE  }
0x40: {  	[sflag:s5] =	ssyncadd.s32 $0xFFFFC000;
	s18 =	sor.u32 $0x40, s18  }
0x41: {  	s17 =	smul.u32 $0x10200, s17;
	v0 =	vld [tilespmem:s18+$0x30]  }
0x42: {  	v1 =	vld [tilespmem:s18+$0xFFFFFFD0]  }
0x43: {  	s17 =	sshrl.u32 s17, $0x2;
	v5 =	vld [tilespmem:s18+$0xFFFFFFE0]  }
0x44: {  	v6 =	vld [tilespmem:s18+$0xFFFFFFF0];
	s19 =	sor.u32 $0x8000, s17  }
0x45: {  	s31 =	sand.u32 $0x1, s15;
	v4 =	vld [tilespmem:s18+$0x0];
	s20 =	sadd.s32 $0x0, s19  }
0x46: {  	v3 =	vld [tilespmem:s18+$0x10];
	s17 =	smul.u32 $0x10200, s31;
	[tilespmem:s20+$0x3870 ss:$0x81] =	vst.msk $0xffff, v0  }
0x47: {  	v2 =	vld [tilespmem:s18+$0x20];
	[tilespmem:s20+$0x810 ss:$0x81] =	vst.msk $0xffff, v1  }
0x48: {  	s17 =	sshrl.u32 s17, $0x2;
	v0 =	vld [tilespmem:s18+$0xFFFFFFC0];
	[tilespmem:s20+$0x1020 ss:$0x81] =	vst.msk $0xffff, v5;
	s18 =	sadd.s32 $0x80, s18  }
0x49: {  	s21 =	simm.s32 $0x4;
	s22 =	simm.s32 $0x8;
	s17 =	sor.u32 $0x8000, s17;
	[tilespmem:s20+$0x1830 ss:$0x81] =	vst.msk $0xffff, v6;
	v1 =	vld [tilespmem:s18+$0x30]  }
.LBB1_3:
0x4a: {  	p1 =	sne.s32 s22, $0x1FC;
	v5 =	vld [tilespmem:s18+$0xFFFFFFD0];
	[tilespmem:s20+$0x2040 ss:$0x81] =	vst.msk $0xffff, v4  }
0x4b: {  	v6 =	vld [tilespmem:s18+$0xFFFFFFE0];
	[tilespmem:s20+$0x2850 ss:$0x81] =	vst.msk $0xffff, v3  }
0x4c: {  	s23 =	sshra.s32 s21, $0x2;
	s21 =	smov.u32 s22;
	v7 =	vld [tilespmem:s18+$0xFFFFFFF0];
	[tilespmem:s20+$0x3060 ss:$0x81] =	vst.msk $0xffff, v2  }
.Ltmp3:
0x4d: {  	v4 =	vld [tilespmem:s18+$0x0];
	[tilespmem:s20+$0x0 ss:$0x81] =	vst.msk $0xffff, v0;
	s20 =	sadd.s32 s23, s19;
	(pc) =	sbr.rel @p1 .LBB1_3-.Ltmp3, $4  }
0x4e: {  	v3 =	vld [tilespmem:s18+$0x10];
	[tilespmem:s20+$0x3870 ss:$0x81] =	vst.msk $0xffff, v1  }
0x4f: {  	[tilespmem:s20+$0x810 ss:$0x81] =	vst.msk $0xffff, v5;
	v2 =	vld [tilespmem:s18+$0x20]  }
0x50: {  	v0 =	vld [tilespmem:s18+$0xFFFFFFC0];
	[tilespmem:s20+$0x1020 ss:$0x81] =	vst.msk $0xffff, v6;
	s18 =	sadd.s32 $0x80, s18  }
0x51: {  	s22 =	sadd.s32 $0x4, s22;
	v1 =	vld [tilespmem:s18+$0x30];
	[tilespmem:s20+$0x1830 ss:$0x81] =	vst.msk $0xffff, v7  }
.Ltmp4:
0x52: {  	_ = 	snop;
	(pc) =	sbr.rel .LBB1_4-.Ltmp4, $1  }
0x53: {  	_ =	sdelay $0x3  }
.LBB1_6:
0x54: {  	_ =	sfence.sel $0x180000  }
0x55: {  	s2 =	simm.s32 $0x1;
	[bflag:$0x0] =	sbarrier.arrive $0xFFFF  }
0x56: {  	s31 =	simm.s32 $0x2;
	[sflag:s2] =	ssyncpa.u1 $0x1  }
0x57: {  	[sflag:s31] =	ssyncpa.u1 $0x1  }
0x58: {  	p0 =	sne.s32 s1, $0x0;
	_ =	strace $0x9000004A  }
0x59: {  	s0 =	sadd.s32 @!p0 $0x100000, s0;
	[bflag:$0x2] =	sbarrier.arrive $0xFFFF  }
0x5a: {  	[sflag:s0] =	ssyncadd.tile.s32 @!p0 $0x1;
	_ =	shalt  }
.Lfunc_end1:
_tile_overlayer_lowered:
.L_overlay_start_2:
0x5b: {  	(tag) =	ssettag $0x2  }
0x5c: {  	s0 =	rddreg [dreg:$0x0];
	s2 =	stileid.u32  }
0x5d: {  	s1 =	rddreg [dreg:$0x1];
	p0 =	sne.s32 s2, $0x0  }
0x5e: {  	s3 =	rddreg [dreg:$0x2];
	[bflag:$0x3] =	sbarrier.arrive $0xFFFF;
	s2 =	simm.s32 @!p0 $0x1C01  }
0x5f: {  	[timem:s3], [sflag:s2] =	dma.local @!p0 [hbm:s0], s1  }
0x60: {  	s0 =	simm.s32 @!p0 $0x1  }
0x61: {  	_ =	swait.ge @!p0 [sflag:s0], s1  }
0x62: {  	s1 =	ssub.s32 @!p0 $0x0, s1;
	[sflag:s0] =	ssyncset.done @!p0 $0x0  }
0x63: {  	[sflag:s0] =	ssyncadd.s32 @!p0 s1  }
0x64: {  	[bflag:$0x3] =	sbarrier.arrive $0xFFFF  }
0x65: {  	_ =	shalt  }

</sc_bundles>
